<compile_context>
chip_gen: v7x
topology: tpu7x:2x2x1
jax: 0.10.2.dev20260603
libtpu: 0.0.44.dev20260713+nightly
codegen_flags: <defaults>
</compile_context>

<pallas_src>
import functools

import jax
import jax.numpy as jnp
from jax import lax
from jax.experimental import pallas as pl
from jax.experimental.pallas import tpu as pltpu
from jax.experimental.pallas import tpu_sc as plsc

N_NODES = 10000
N_EDGES = 320000
D = 128

NC = 2
NS = 16
NW = NC * NS
NP = 10240
CH = 128
NCH = 79
EPW = CH * NCH
EPAD = NW * EPW
RPW = NP // NS

_mesh = plsc.VectorSubcoreMesh(core_axis_name="c", subcore_axis_name="s")


@functools.partial(
    pl.kernel,
    out_type=jax.ShapeDtypeStruct((NC, NP), jnp.float32),
    mesh=_mesh,
    scratch_types=[
        pltpu.VMEM((NCH, CH), jnp.int32),
        pltpu.VMEM((CH,), jnp.float32),
        pltpu.VMEM((RPW,), jnp.float32),
        pltpu.VMEM_SHARED((NP,), jnp.float32),
    ],
)
def _deg_kernel(dst_hbm, ones_hbm, zvec_hbm, out_hbm, idx_v, ones_v, stage_v, acc_sh):
    cid = lax.axis_index("c")
    sid = lax.axis_index("s")
    wid = cid * NS + sid
    pltpu.sync_copy(zvec_hbm, stage_v)
    pltpu.sync_copy(ones_hbm, ones_v)
    pltpu.sync_copy(stage_v, acc_sh.at[pl.ds(sid * RPW, RPW)])
    plsc.subcore_barrier()
    pltpu.sync_copy(dst_hbm.at[wid], idx_v)

    def body(j, carry):
        pltpu.sync_copy(ones_v, acc_sh.at[idx_v.at[j]], add=True)
        return carry

    lax.fori_loop(0, NCH, body, 0)
    plsc.subcore_barrier()
    pltpu.sync_copy(acc_sh.at[pl.ds(sid * RPW, RPW)], stage_v)
    pltpu.sync_copy(stage_v, out_hbm.at[cid, pl.ds(sid * RPW, RPW)])


@functools.partial(
    pl.kernel,
    out_type=jax.ShapeDtypeStruct((NC, NP, D), jnp.float32),
    mesh=_mesh,
    scratch_types=[
        pltpu.VMEM((NCH, CH), jnp.int32),
        pltpu.VMEM((NCH, CH), jnp.int32),
        pltpu.VMEM((CH, D), jnp.float32),
        pltpu.VMEM_SHARED((NP, D), jnp.float32),
        pltpu.SemaphoreType.DMA,
    ],
)
def _msg_kernel(y_hbm, src_hbm, dst_hbm, zrows_hbm, out_hbm,
                src_v, dst_v, rows_v, acc_sh, sem):
    cid = lax.axis_index("c")
    sid = lax.axis_index("s")
    wid = cid * NS + sid
    pltpu.sync_copy(zrows_hbm, rows_v)
    for r in range(RPW // CH):
        pltpu.sync_copy(rows_v, acc_sh.at[pl.ds(sid * RPW + r * CH, CH)])
    plsc.subcore_barrier()
    pltpu.sync_copy(src_hbm.at[wid], src_v)
    pltpu.sync_copy(dst_hbm.at[wid], dst_v)

    def body(j, carry):
        pltpu.async_copy(y_hbm.at[src_v.at[j]], rows_v, sem).wait()
        pltpu.sync_copy(rows_v, acc_sh.at[dst_v.at[j]], add=True)
        return carry

    lax.fori_loop(0, NCH, body, 0)
    plsc.subcore_barrier()
    for r in range(RPW // CH):
        base = sid * RPW + r * CH
        pltpu.sync_copy(acc_sh.at[pl.ds(base, CH)], rows_v)
        pltpu.sync_copy(rows_v, out_hbm.at[cid, pl.ds(base, CH)])


def _stage1_body(x_ref, w1_ref, degp_ref, y_ref, dinv_ref):
    deg = jnp.sum(degp_ref[...], axis=0)[:N_NODES] + 1.0
    dcol = lax.rsqrt(deg)[:, None]
    dinv_ref[...] = dcol
    xw = jnp.dot(x_ref[...], w1_ref[...], preferred_element_type=jnp.float32)
    y_ref[...] = xw * dcol


def _stage2_body(sp_ref, y_ref, dinv_ref, b1_ref, w2_ref, y2_ref):
    sp = sp_ref[...]
    s = sp[0, :N_NODES] + sp[1, :N_NODES]
    dcol = dinv_ref[...]
    h1 = jnp.maximum((s + y_ref[...]) * dcol + b1_ref[...], 0.0)
    y2_ref[...] = jnp.dot(h1, w2_ref[...], preferred_element_type=jnp.float32) * dcol


def _stage3_body(sp_ref, y2_ref, dinv_ref, b2_ref, out_ref):
    sp = sp_ref[...]
    s = sp[0, :N_NODES] + sp[1, :N_NODES]
    f = 2.0 * ((s + y2_ref[...]) * dinv_ref[...] + b2_ref[...])
    m = jnp.max(f, axis=1, keepdims=True)
    lse = jnp.log(jnp.sum(jnp.exp(f - m), axis=1, keepdims=True)) + m
    out_ref[...] = f - lse


_stage1 = pl.pallas_call(
    _stage1_body,
    out_shape=(
        jax.ShapeDtypeStruct((N_NODES, D), jnp.float32),
        jax.ShapeDtypeStruct((N_NODES, 1), jnp.float32),
    ),
)

_stage2 = pl.pallas_call(
    _stage2_body,
    out_shape=jax.ShapeDtypeStruct((N_NODES, D), jnp.float32),
)

_stage3 = pl.pallas_call(
    _stage3_body,
    out_shape=jax.ShapeDtypeStruct((N_NODES, D), jnp.float32),
)


def kernel(x, edge_index, W1, b1, W2, b2):
    ei = edge_index.astype(jnp.int32)
    npad = EPAD - N_EDGES
    src = jnp.concatenate([ei[0], jnp.zeros((npad,), jnp.int32)])
    dst = jnp.concatenate([ei[1], jnp.full((npad,), N_NODES, jnp.int32)])
    src = src.reshape(NW, NCH, CH)
    dst = dst.reshape(NW, NCH, CH)

    ones_ch = jnp.ones((CH,), jnp.float32)
    zvec = jnp.zeros((RPW,), jnp.float32)
    zrows = jnp.zeros((CH, D), jnp.float32)

    degp = _deg_kernel(dst, ones_ch, zvec)
    y, dinv = _stage1(x, W1, degp)
    s1p = _msg_kernel(y, src, dst, zrows)
    y2 = _stage2(s1p, y, dinv, b1, W2)
    s2p = _msg_kernel(y2, src, dst, zrows)
    return _stage3(s2p, y2, dinv, b2)

# --- scband reference (transcript-rebuilt; emitter-appended) ---
"""Pipeline reference for scband-gnn-50663434224265 (READ-ONLY COPY).

The authoritative reference and input builder live on the scoring server;
editing this copy changes nothing except your own understanding.
"""

import jax, jax.numpy as jnp
import numpy as np

N_NODES = 10000
N_EDGES = 320000
D_IN = 128
D_HID = 128
D_OUT = 128


def gcn_conv(x, edge_index, W, b):
    # PyG GCNConv: add self-loops, symmetric normalization D^-1/2 (A+I) D^-1/2 X W + b
    n = x.shape[0]
    loop = jnp.arange(n, dtype=edge_index.dtype)
    src = jnp.concatenate([edge_index[0], loop])
    dst = jnp.concatenate([edge_index[1], loop])
    deg = jnp.zeros((n,), dtype=x.dtype).at[dst].add(1.0)
    dinv = jnp.where(deg > 0, 1.0 / jnp.sqrt(deg), 0.0)
    norm = dinv[src] * dinv[dst]
    xw = x @ W
    msg = xw[src] * norm[:, None]
    out = jax.ops.segment_sum(msg, dst, num_segments=n)
    return out + b


def setup_inputs(seed: int = 0) -> dict:
    key = jax.random.key(seed)
    k1, k2, k3, k4, k5, k6 = jax.random.split(key, 6)
    x = jax.random.normal(k1, (N_NODES, D_IN), dtype=jnp.float32)
    edge_index = jax.random.randint(k2, (2, N_EDGES), 0, N_NODES, dtype=jnp.int64)
    s1 = 1.0 / np.sqrt(D_IN)
    s2 = 1.0 / np.sqrt(D_HID)
    W1 = jax.random.uniform(k3, (D_IN, D_HID), dtype=jnp.float32, minval=-s1, maxval=s1)
    b1 = jnp.zeros((D_HID,), dtype=jnp.float32)
    W2 = jax.random.uniform(k4, (D_HID, D_OUT), dtype=jnp.float32, minval=-s2, maxval=s2)
    b2 = jnp.zeros((D_OUT,), dtype=jnp.float32)
    return {"x": x, "edge_index": edge_index, "W1": W1, "b1": b1, "W2": W2, "b2": b2}


def reference(x, edge_index, W1, b1, W2, b2):
    # branch 1 (dropout is identity in eval mode)
    x1 = jax.nn.relu(gcn_conv(x, edge_index, W1, b1))
    x1 = gcn_conv(x1, edge_index, W2, b2)
    # branch 2 (identical computation, kept faithful to original forward)
    x2 = jax.nn.relu(gcn_conv(x, edge_index, W1, b1))
    x2 = gcn_conv(x2, edge_index, W2, b2)
    # FusionMethod == 'Sum'
    out = x1 + x2
    return jax.nn.log_softmax(out, axis=1)

if __name__ == "__main__":
    import jax
    _d = setup_inputs()
    print(jax.jit(kernel)(*tuple(_d.values())))

</pallas_src>

<mosaic_0001>
#map = affine_map<(d0, d1) -> (0, 0)>
#map1 = affine_map<(d0, d1) -> (0, 0, 0)>
module attributes {stable_mosaic.version = 14 : i64} {
  func.func @_msg_kernel(%arg0: i32, %arg1: i32, %arg2: memref<10000x128xf32, #tpu.memory_space<hbm>>, %arg3: memref<32x79x128xi32, #tpu.memory_space<hbm>>, %arg4: memref<32x79x128xi32, #tpu.memory_space<hbm>>, %arg5: memref<128x128xf32, #tpu.memory_space<hbm>>, %arg6: memref<2x10240x128xf32, #tpu.memory_space<hbm>>, %arg7: memref<79x128xi32, #tpu.memory_space<vmem>>, %arg8: memref<79x128xi32, #tpu.memory_space<vmem>>, %arg9: memref<128x128xf32, #tpu.memory_space<vmem>>, %arg10: memref<10240x128xf32, #tpu.memory_space<vmem_shared>>, %arg11: memref<!tpu.dma_semaphore, #tpu.memory_space<semaphore_mem>>) attributes {dimension_semantics = [#tpu.dimension_semantics<core_parallel>, #tpu.dimension_semantics<subcore_parallel>], iteration_bounds = array<i64: 2, 16>, scalar_prefetch = 0 : i64, scratch_operands = 5 : i64, tpu.core_type = #tpu.core_type<sc_vector_subcore>, window_params = [{transform_indices = #map}, {transform_indices = #map1}, {transform_indices = #map1}, {transform_indices = #map}, {transform_indices = #map1}]} {
    %mul3A = arith.constant 16 : i32
    %mul3A_0 = arith.muli %arg0, %mul3A : i32
    %add3A = arith.addi %mul3A_0, %arg1 : i32
    "tpu.region"() ({
      %run_scoped3A = tpu.sem_alloc : memref<!tpu.dma_semaphore, #tpu.memory_space<semaphore_mem>>
      tpu.enqueue_dma source(%arg5 : memref<128x128xf32, #tpu.memory_space<hbm>>) target(%arg9 : memref<128x128xf32, #tpu.memory_space<vmem>>) target_semaphore(%run_scoped3A : memref<!tpu.dma_semaphore, #tpu.memory_space<semaphore_mem>>)
      tpu.wait_dma2 semaphore(%run_scoped3A : memref<!tpu.dma_semaphore, #tpu.memory_space<semaphore_mem>>) src(%arg5 : memref<128x128xf32, #tpu.memory_space<hbm>>) dst(%arg9 : memref<128x128xf32, #tpu.memory_space<vmem>>)
      tpu.yield
    }) : () -> ()
    %mul3A_1 = arith.constant 640 : i32
    %mul3A_2 = arith.muli %arg1, %mul3A_1 : i32
    %add3A_3 = arith.constant 0 : i32
    %add3A_4 = arith.addi %mul3A_2, %add3A_3 : i32
    "tpu.region"() ({
      %run_scoped3A = tpu.sem_alloc : memref<!tpu.dma_semaphore, #tpu.memory_space<semaphore_mem>>
      %dma_start3A = arith.constant 0 : i32
      %dma_start3A_47 = tpu.memref_slice %arg10[%add3A_4, %dma_start3A] : memref<10240x128xf32, #tpu.memory_space<vmem_shared>> -> memref<128x128xf32, #tpu.memory_space<vmem_shared>>
      %dma_start3A_48 = arith.constant 0 : i32
      %dma_start3A_49 = tpu.memref_slice %arg10[%add3A_4, %dma_start3A_48] : memref<10240x128xf32, #tpu.memory_space<vmem_shared>> -> memref<128x128xf32, #tpu.memory_space<vmem_shared>>
      tpu.enqueue_dma source(%arg9 : memref<128x128xf32, #tpu.memory_space<vmem>>) target(%dma_start3A_49 : memref<128x128xf32, #tpu.memory_space<vmem_shared>>) target_semaphore(%run_scoped3A : memref<!tpu.dma_semaphore, #tpu.memory_space<semaphore_mem>>)
      %dma_wait3A = arith.constant 0 : i32
      %dma_wait3A_50 = tpu.memref_slice %arg10[%add3A_4, %dma_wait3A] : memref<10240x128xf32, #tpu.memory_space<vmem_shared>> -> memref<128x128xf32, #tpu.memory_space<vmem_shared>>
      %dma_wait3A_51 = arith.constant 0 : i32
      %dma_wait3A_52 = tpu.memref_slice %arg10[%add3A_4, %dma_wait3A_51] : memref<10240x128xf32, #tpu.memory_space<vmem_shared>> -> memref<128x128xf32, #tpu.memory_space<vmem_shared>>
      tpu.wait_dma2 semaphore(%run_scoped3A : memref<!tpu.dma_semaphore, #tpu.memory_space<semaphore_mem>>) src(%arg9 : memref<128x128xf32, #tpu.memory_space<vmem>>) dst(%dma_wait3A_52 : memref<128x128xf32, #tpu.memory_space<vmem_shared>>)
      tpu.yield
    }) : () -> ()
    %mul3A_5 = arith.constant 640 : i32
    %mul3A_6 = arith.muli %arg1, %mul3A_5 : i32
    %add3A_7 = arith.constant 128 : i32
    %add3A_8 = arith.addi %mul3A_6, %add3A_7 : i32
    "tpu.region"() ({
      %run_scoped3A = tpu.sem_alloc : memref<!tpu.dma_semaphore, #tpu.memory_space<semaphore_mem>>
      %dma_start3A = arith.constant 0 : i32
      %dma_start3A_47 = tpu.memref_slice %arg10[%add3A_8, %dma_start3A] : memref<10240x128xf32, #tpu.memory_space<vmem_shared>> -> memref<128x128xf32, #tpu.memory_space<vmem_shared>>
      %dma_start3A_48 = arith.constant 0 : i32
      %dma_start3A_49 = tpu.memref_slice %arg10[%add3A_8, %dma_start3A_48] : memref<10240x128xf32, #tpu.memory_space<vmem_shared>> -> memref<128x128xf32, #tpu.memory_space<vmem_shared>>
      tpu.enqueue_dma source(%arg9 : memref<128x128xf32, #tpu.memory_space<vmem>>) target(%dma_start3A_49 : memref<128x128xf32, #tpu.memory_space<vmem_shared>>) target_semaphore(%run_scoped3A : memref<!tpu.dma_semaphore, #tpu.memory_space<semaphore_mem>>)
      %dma_wait3A = arith.constant 0 : i32
      %dma_wait3A_50 = tpu.memref_slice %arg10[%add3A_8, %dma_wait3A] : memref<10240x128xf32, #tpu.memory_space<vmem_shared>> -> memref<128x128xf32, #tpu.memory_space<vmem_shared>>
      %dma_wait3A_51 = arith.constant 0 : i32
      %dma_wait3A_52 = tpu.memref_slice %arg10[%add3A_8, %dma_wait3A_51] : memref<10240x128xf32, #tpu.memory_space<vmem_shared>> -> memref<128x128xf32, #tpu.memory_space<vmem_shared>>
      tpu.wait_dma2 semaphore(%run_scoped3A : memref<!tpu.dma_semaphore, #tpu.memory_space<semaphore_mem>>) src(%arg9 : memref<128x128xf32, #tpu.memory_space<vmem>>) dst(%dma_wait3A_52 : memref<128x128xf32, #tpu.memory_space<vmem_shared>>)
      tpu.yield
    }) : () -> ()
    %mul3A_9 = arith.constant 640 : i32
    %mul3A_10 = arith.muli %arg1, %mul3A_9 : i32
    %add3A_11 = arith.constant 256 : i32
    %add3A_12 = arith.addi %mul3A_10, %add3A_11 : i32
    "tpu.region"() ({
      %run_scoped3A = tpu.sem_alloc : memref<!tpu.dma_semaphore, #tpu.memory_space<semaphore_mem>>
      %dma_start3A = arith.constant 0 : i32
      %dma_start3A_47 = tpu.memref_slice %arg10[%add3A_12, %dma_start3A] : memref<10240x128xf32, #tpu.memory_space<vmem_shared>> -> memref<128x128xf32, #tpu.memory_space<vmem_shared>>
      %dma_start3A_48 = arith.constant 0 : i32
      %dma_start3A_49 = tpu.memref_slice %arg10[%add3A_12, %dma_start3A_48] : memref<10240x128xf32, #tpu.memory_space<vmem_shared>> -> memref<128x128xf32, #tpu.memory_space<vmem_shared>>
      tpu.enqueue_dma source(%arg9 : memref<128x128xf32, #tpu.memory_space<vmem>>) target(%dma_start3A_49 : memref<128x128xf32, #tpu.memory_space<vmem_shared>>) target_semaphore(%run_scoped3A : memref<!tpu.dma_semaphore, #tpu.memory_space<semaphore_mem>>)
      %dma_wait3A = arith.constant 0 : i32
      %dma_wait3A_50 = tpu.memref_slice %arg10[%add3A_12, %dma_wait3A] : memref<10240x128xf32, #tpu.memory_space<vmem_shared>> -> memref<128x128xf32, #tpu.memory_space<vmem_shared>>
      %dma_wait3A_51 = arith.constant 0 : i32
      %dma_wait3A_52 = tpu.memref_slice %arg10[%add3A_12, %dma_wait3A_51] : memref<10240x128xf32, #tpu.memory_space<vmem_shared>> -> memref<128x128xf32, #tpu.memory_space<vmem_shared>>
      tpu.wait_dma2 semaphore(%run_scoped3A : memref<!tpu.dma_semaphore, #tpu.memory_space<semaphore_mem>>) src(%arg9 : memref<128x128xf32, #tpu.memory_space<vmem>>) dst(%dma_wait3A_52 : memref<128x128xf32, #tpu.memory_space<vmem_shared>>)
      tpu.yield
    }) : () -> ()
    %mul3A_13 = arith.constant 640 : i32
    %mul3A_14 = arith.muli %arg1, %mul3A_13 : i32
    %add3A_15 = arith.constant 384 : i32
    %add3A_16 = arith.addi %mul3A_14, %add3A_15 : i32
    "tpu.region"() ({
      %run_scoped3A = tpu.sem_alloc : memref<!tpu.dma_semaphore, #tpu.memory_space<semaphore_mem>>
      %dma_start3A = arith.constant 0 : i32
      %dma_start3A_47 = tpu.memref_slice %arg10[%add3A_16, %dma_start3A] : memref<10240x128xf32, #tpu.memory_space<vmem_shared>> -> memref<128x128xf32, #tpu.memory_space<vmem_shared>>
      %dma_start3A_48 = arith.constant 0 : i32
      %dma_start3A_49 = tpu.memref_slice %arg10[%add3A_16, %dma_start3A_48] : memref<10240x128xf32, #tpu.memory_space<vmem_shared>> -> memref<128x128xf32, #tpu.memory_space<vmem_shared>>
      tpu.enqueue_dma source(%arg9 : memref<128x128xf32, #tpu.memory_space<vmem>>) target(%dma_start3A_49 : memref<128x128xf32, #tpu.memory_space<vmem_shared>>) target_semaphore(%run_scoped3A : memref<!tpu.dma_semaphore, #tpu.memory_space<semaphore_mem>>)
      %dma_wait3A = arith.constant 0 : i32
      %dma_wait3A_50 = tpu.memref_slice %arg10[%add3A_16, %dma_wait3A] : memref<10240x128xf32, #tpu.memory_space<vmem_shared>> -> memref<128x128xf32, #tpu.memory_space<vmem_shared>>
      %dma_wait3A_51 = arith.constant 0 : i32
      %dma_wait3A_52 = tpu.memref_slice %arg10[%add3A_16, %dma_wait3A_51] : memref<10240x128xf32, #tpu.memory_space<vmem_shared>> -> memref<128x128xf32, #tpu.memory_space<vmem_shared>>
      tpu.wait_dma2 semaphore(%run_scoped3A : memref<!tpu.dma_semaphore, #tpu.memory_space<semaphore_mem>>) src(%arg9 : memref<128x128xf32, #tpu.memory_space<vmem>>) dst(%dma_wait3A_52 : memref<128x128xf32, #tpu.memory_space<vmem_shared>>)
      tpu.yield
    }) : () -> ()
    %mul3A_17 = arith.constant 640 : i32
    %mul3A_18 = arith.muli %arg1, %mul3A_17 : i32
    %add3A_19 = arith.constant 512 : i32
    %add3A_20 = arith.addi %mul3A_18, %add3A_19 : i32
    "tpu.region"() ({
      %run_scoped3A = tpu.sem_alloc : memref<!tpu.dma_semaphore, #tpu.memory_space<semaphore_mem>>
      %dma_start3A = arith.constant 0 : i32
      %dma_start3A_47 = tpu.memref_slice %arg10[%add3A_20, %dma_start3A] : memref<10240x128xf32, #tpu.memory_space<vmem_shared>> -> memref<128x128xf32, #tpu.memory_space<vmem_shared>>
      %dma_start3A_48 = arith.constant 0 : i32
      %dma_start3A_49 = tpu.memref_slice %arg10[%add3A_20, %dma_start3A_48] : memref<10240x128xf32, #tpu.memory_space<vmem_shared>> -> memref<128x128xf32, #tpu.memory_space<vmem_shared>>
      tpu.enqueue_dma source(%arg9 : memref<128x128xf32, #tpu.memory_space<vmem>>) target(%dma_start3A_49 : memref<128x128xf32, #tpu.memory_space<vmem_shared>>) target_semaphore(%run_scoped3A : memref<!tpu.dma_semaphore, #tpu.memory_space<semaphore_mem>>)
      %dma_wait3A = arith.constant 0 : i32
      %dma_wait3A_50 = tpu.memref_slice %arg10[%add3A_20, %dma_wait3A] : memref<10240x128xf32, #tpu.memory_space<vmem_shared>> -> memref<128x128xf32, #tpu.memory_space<vmem_shared>>
      %dma_wait3A_51 = arith.constant 0 : i32
      %dma_wait3A_52 = tpu.memref_slice %arg10[%add3A_20, %dma_wait3A_51] : memref<10240x128xf32, #tpu.memory_space<vmem_shared>> -> memref<128x128xf32, #tpu.memory_space<vmem_shared>>
      tpu.wait_dma2 semaphore(%run_scoped3A : memref<!tpu.dma_semaphore, #tpu.memory_space<semaphore_mem>>) src(%arg9 : memref<128x128xf32, #tpu.memory_space<vmem>>) dst(%dma_wait3A_52 : memref<128x128xf32, #tpu.memory_space<vmem_shared>>)
      tpu.yield
    }) : () -> ()
    %barrier3A = arith.constant 0 : index
    tpu.barrier barrier_id(%barrier3A)
    "tpu.region"() ({
      %run_scoped3A = tpu.sem_alloc : memref<!tpu.dma_semaphore, #tpu.memory_space<semaphore_mem>>
      %dma_start3A = arith.constant 0 : i32
      %dma_start3A_47 = arith.constant 0 : i32
      %dma_start3A_48 = tpu.memref_slice %arg3[%add3A, %dma_start3A, %dma_start3A_47] : memref<32x79x128xi32, #tpu.memory_space<hbm>> -> memref<1x79x128xi32, #tpu.memory_space<hbm>>
      %dma_start3A_49 = tpu.memref_squeeze %dma_start3A_48 : memref<1x79x128xi32, #tpu.memory_space<hbm>> -> memref<79x128xi32, #tpu.memory_space<hbm>>
      %dma_start3A_50 = arith.constant 0 : i32
      %dma_start3A_51 = arith.constant 0 : i32
      %dma_start3A_52 = tpu.memref_slice %arg3[%add3A, %dma_start3A_50, %dma_start3A_51] : memref<32x79x128xi32, #tpu.memory_space<hbm>> -> memref<1x79x128xi32, #tpu.memory_space<hbm>>
      %dma_start3A_53 = tpu.memref_squeeze %dma_start3A_52 : memref<1x79x128xi32, #tpu.memory_space<hbm>> -> memref<79x128xi32, #tpu.memory_space<hbm>>
      tpu.enqueue_dma source(%dma_start3A_53 : memref<79x128xi32, #tpu.memory_space<hbm>>) target(%arg7 : memref<79x128xi32, #tpu.memory_space<vmem>>) target_semaphore(%run_scoped3A : memref<!tpu.dma_semaphore, #tpu.memory_space<semaphore_mem>>)
      %dma_wait3A = arith.constant 0 : i32
      %dma_wait3A_54 = arith.constant 0 : i32
      %dma_wait3A_55 = tpu.memref_slice %arg3[%add3A, %dma_wait3A, %dma_wait3A_54] : memref<32x79x128xi32, #tpu.memory_space<hbm>> -> memref<1x79x128xi32, #tpu.memory_space<hbm>>
      %dma_wait3A_56 = tpu.memref_squeeze %dma_wait3A_55 : memref<1x79x128xi32, #tpu.memory_space<hbm>> -> memref<79x128xi32, #tpu.memory_space<hbm>>
      %dma_wait3A_57 = arith.constant 0 : i32
      %dma_wait3A_58 = arith.constant 0 : i32
      %dma_wait3A_59 = tpu.memref_slice %arg3[%add3A, %dma_wait3A_57, %dma_wait3A_58] : memref<32x79x128xi32, #tpu.memory_space<hbm>> -> memref<1x79x128xi32, #tpu.memory_space<hbm>>
      %dma_wait3A_60 = tpu.memref_squeeze %dma_wait3A_59 : memref<1x79x128xi32, #tpu.memory_space<hbm>> -> memref<79x128xi32, #tpu.memory_space<hbm>>
      tpu.wait_dma2 semaphore(%run_scoped3A : memref<!tpu.dma_semaphore, #tpu.memory_space<semaphore_mem>>) src(%dma_wait3A_60 : memref<79x128xi32, #tpu.memory_space<hbm>>) dst(%arg7 : memref<79x128xi32, #tpu.memory_space<vmem>>)
      tpu.yield
    }) : () -> ()
    "tpu.region"() ({
      %run_scoped3A = tpu.sem_alloc : memref<!tpu.dma_semaphore, #tpu.memory_space<semaphore_mem>>
      %dma_start3A = arith.constant 0 : i32
      %dma_start3A_47 = arith.constant 0 : i32
      %dma_start3A_48 = tpu.memref_slice %arg4[%add3A, %dma_start3A, %dma_start3A_47] : memref<32x79x128xi32, #tpu.memory_space<hbm>> -> memref<1x79x128xi32, #tpu.memory_space<hbm>>
      %dma_start3A_49 = tpu.memref_squeeze %dma_start3A_48 : memref<1x79x128xi32, #tpu.memory_space<hbm>> -> memref<79x128xi32, #tpu.memory_space<hbm>>
      %dma_start3A_50 = arith.constant 0 : i32
      %dma_start3A_51 = arith.constant 0 : i32
      %dma_start3A_52 = tpu.memref_slice %arg4[%add3A, %dma_start3A_50, %dma_start3A_51] : memref<32x79x128xi32, #tpu.memory_space<hbm>> -> memref<1x79x128xi32, #tpu.memory_space<hbm>>
      %dma_start3A_53 = tpu.memref_squeeze %dma_start3A_52 : memref<1x79x128xi32, #tpu.memory_space<hbm>> -> memref<79x128xi32, #tpu.memory_space<hbm>>
      tpu.enqueue_dma source(%dma_start3A_53 : memref<79x128xi32, #tpu.memory_space<hbm>>) target(%arg8 : memref<79x128xi32, #tpu.memory_space<vmem>>) target_semaphore(%run_scoped3A : memref<!tpu.dma_semaphore, #tpu.memory_space<semaphore_mem>>)
      %dma_wait3A = arith.constant 0 : i32
      %dma_wait3A_54 = arith.constant 0 : i32
      %dma_wait3A_55 = tpu.memref_slice %arg4[%add3A, %dma_wait3A, %dma_wait3A_54] : memref<32x79x128xi32, #tpu.memory_space<hbm>> -> memref<1x79x128xi32, #tpu.memory_space<hbm>>
      %dma_wait3A_56 = tpu.memref_squeeze %dma_wait3A_55 : memref<1x79x128xi32, #tpu.memory_space<hbm>> -> memref<79x128xi32, #tpu.memory_space<hbm>>
      %dma_wait3A_57 = arith.constant 0 : i32
      %dma_wait3A_58 = arith.constant 0 : i32
      %dma_wait3A_59 = tpu.memref_slice %arg4[%add3A, %dma_wait3A_57, %dma_wait3A_58] : memref<32x79x128xi32, #tpu.memory_space<hbm>> -> memref<1x79x128xi32, #tpu.memory_space<hbm>>
      %dma_wait3A_60 = tpu.memref_squeeze %dma_wait3A_59 : memref<1x79x128xi32, #tpu.memory_space<hbm>> -> memref<79x128xi32, #tpu.memory_space<hbm>>
      tpu.wait_dma2 semaphore(%run_scoped3A : memref<!tpu.dma_semaphore, #tpu.memory_space<semaphore_mem>>) src(%dma_wait3A_60 : memref<79x128xi32, #tpu.memory_space<hbm>>) dst(%arg8 : memref<79x128xi32, #tpu.memory_space<vmem>>)
      tpu.yield
    }) : () -> ()
    %scan3A = arith.constant 0 : i32
    %scan3A_21 = arith.constant 0 : i32
    %scan3A_22 = arith.constant 79 : i32
    %scan3A_23 = arith.addi %scan3A_21, %scan3A_22 : i32
    %scan3A_24 = arith.constant 1 : i32
    scf.for %scan3A_47 = %scan3A_21 to %scan3A_23 step %scan3A_24  : i32 {
      %dma_start3A = arith.constant 0 : i32
      %dma_start3A_48 = tpu.memref_slice %arg7[%scan3A_47, %dma_start3A] : memref<79x128xi32, #tpu.memory_space<vmem>> -> memref<1x128xi32, #tpu.memory_space<vmem>>
      %dma_start3A_49 = tpu.memref_squeeze %dma_start3A_48 : memref<1x128xi32, #tpu.memory_space<vmem>> -> memref<128xi32, #tpu.memory_space<vmem>>
      %dma_start3A_50 = arith.constant 0 : i32
      %dma_start3A_51 = arith.constant 0 : i32
      %dma_start3A_52 = tpu.memref_slice %arg2[%dma_start3A_50, %dma_start3A_51] : memref<10000x128xf32, #tpu.memory_space<hbm>> -> memref<10000x128xf32, #tpu.memory_space<hbm>>
      tpu.enqueue_indirect_dma source(%dma_start3A_52 : memref<10000x128xf32, #tpu.memory_space<hbm>>) target(%arg9 : memref<128x128xf32, #tpu.memory_space<vmem>>) offsets(%dma_start3A_49 : memref<128xi32, #tpu.memory_space<vmem>>) semaphore(%arg11 : memref<!tpu.dma_semaphore, #tpu.memory_space<semaphore_mem>>)
      %dma_wait3A = arith.constant 0 : i32
      %dma_wait3A_53 = tpu.memref_slice %arg7[%scan3A_47, %dma_wait3A] : memref<79x128xi32, #tpu.memory_space<vmem>> -> memref<1x128xi32, #tpu.memory_space<vmem>>
      %dma_wait3A_54 = tpu.memref_squeeze %dma_wait3A_53 : memref<1x128xi32, #tpu.memory_space<vmem>> -> memref<128xi32, #tpu.memory_space<vmem>>
      %dma_wait3A_55 = arith.constant 0 : i32
      %dma_wait3A_56 = arith.constant 0 : i32
      %dma_wait3A_57 = tpu.memref_slice %arg2[%dma_wait3A_55, %dma_wait3A_56] : memref<10000x128xf32, #tpu.memory_space<hbm>> -> memref<10000x128xf32, #tpu.memory_space<hbm>>
      tpu.wait_indirect_dma semaphore(%arg11 : memref<!tpu.dma_semaphore, #tpu.memory_space<semaphore_mem>>) src(%dma_wait3A_57 : memref<10000x128xf32, #tpu.memory_space<hbm>>) dst(%arg9 : memref<128x128xf32, #tpu.memory_space<vmem>>)
      "tpu.region"() ({
        %run_scoped3A = tpu.sem_alloc : memref<!tpu.dma_semaphore, #tpu.memory_space<semaphore_mem>>
        %dma_start3A_58 = arith.constant 0 : i32
        %dma_start3A_59 = tpu.memref_slice %arg8[%scan3A_47, %dma_start3A_58] : memref<79x128xi32, #tpu.memory_space<vmem>> -> memref<1x128xi32, #tpu.memory_space<vmem>>
        %dma_start3A_60 = tpu.memref_squeeze %dma_start3A_59 : memref<1x128xi32, #tpu.memory_space<vmem>> -> memref<128xi32, #tpu.memory_space<vmem>>
        %dma_start3A_61 = arith.constant 0 : i32
        %dma_start3A_62 = arith.constant 0 : i32
        %dma_start3A_63 = tpu.memref_slice %arg10[%dma_start3A_61, %dma_start3A_62] : memref<10240x128xf32, #tpu.memory_space<vmem_shared>> -> memref<10240x128xf32, #tpu.memory_space<vmem_shared>>
        tpu.enqueue_indirect_dma source(%arg9 : memref<128x128xf32, #tpu.memory_space<vmem>>) target(%dma_start3A_63 : memref<10240x128xf32, #tpu.memory_space<vmem_shared>>) offsets(%dma_start3A_60 : memref<128xi32, #tpu.memory_space<vmem>>) semaphore(%run_scoped3A : memref<!tpu.dma_semaphore, #tpu.memory_space<semaphore_mem>>) {add = true}
        %dma_wait3A_64 = arith.constant 0 : i32
        %dma_wait3A_65 = tpu.memref_slice %arg8[%scan3A_47, %dma_wait3A_64] : memref<79x128xi32, #tpu.memory_space<vmem>> -> memref<1x128xi32, #tpu.memory_space<vmem>>
        %dma_wait3A_66 = tpu.memref_squeeze %dma_wait3A_65 : memref<1x128xi32, #tpu.memory_space<vmem>> -> memref<128xi32, #tpu.memory_space<vmem>>
        %dma_wait3A_67 = arith.constant 0 : i32
        %dma_wait3A_68 = arith.constant 0 : i32
        %dma_wait3A_69 = tpu.memref_slice %arg10[%dma_wait3A_67, %dma_wait3A_68] : memref<10240x128xf32, #tpu.memory_space<vmem_shared>> -> memref<10240x128xf32, #tpu.memory_space<vmem_shared>>
        tpu.wait_indirect_dma semaphore(%run_scoped3A : memref<!tpu.dma_semaphore, #tpu.memory_space<semaphore_mem>>) src(%arg9 : memref<128x128xf32, #tpu.memory_space<vmem>>) dst(%dma_wait3A_69 : memref<10240x128xf32, #tpu.memory_space<vmem_shared>>)
        tpu.yield
      }) : () -> ()
    }
    %scan3A_25 = arith.constant 79 : i32
    %barrier3A_26 = arith.constant 0 : index
    tpu.barrier barrier_id(%barrier3A_26)
    %mul3A_27 = arith.constant 640 : i32
    %mul3A_28 = arith.muli %arg1, %mul3A_27 : i32
    %add3A_29 = arith.constant 0 : i32
    %add3A_30 = arith.addi %mul3A_28, %add3A_29 : i32
    "tpu.region"() ({
      %run_scoped3A = tpu.sem_alloc : memref<!tpu.dma_semaphore, #tpu.memory_space<semaphore_mem>>
      %dma_start3A = arith.constant 0 : i32
      %dma_start3A_47 = tpu.memref_slice %arg10[%add3A_30, %dma_start3A] : memref<10240x128xf32, #tpu.memory_space<vmem_shared>> -> memref<128x128xf32, #tpu.memory_space<vmem_shared>>
      %dma_start3A_48 = arith.constant 0 : i32
      %dma_start3A_49 = tpu.memref_slice %arg10[%add3A_30, %dma_start3A_48] : memref<10240x128xf32, #tpu.memory_space<vmem_shared>> -> memref<128x128xf32, #tpu.memory_space<vmem_shared>>
      tpu.enqueue_dma source(%dma_start3A_49 : memref<128x128xf32, #tpu.memory_space<vmem_shared>>) target(%arg9 : memref<128x128xf32, #tpu.memory_space<vmem>>) target_semaphore(%run_scoped3A : memref<!tpu.dma_semaphore, #tpu.memory_space<semaphore_mem>>)
      %dma_wait3A = arith.constant 0 : i32
      %dma_wait3A_50 = tpu.memref_slice %arg10[%add3A_30, %dma_wait3A] : memref<10240x128xf32, #tpu.memory_space<vmem_shared>> -> memref<128x128xf32, #tpu.memory_space<vmem_shared>>
      %dma_wait3A_51 = arith.constant 0 : i32
      %dma_wait3A_52 = tpu.memref_slice %arg10[%add3A_30, %dma_wait3A_51] : memref<10240x128xf32, #tpu.memory_space<vmem_shared>> -> memref<128x128xf32, #tpu.memory_space<vmem_shared>>
      tpu.wait_dma2 semaphore(%run_scoped3A : memref<!tpu.dma_semaphore, #tpu.memory_space<semaphore_mem>>) src(%dma_wait3A_52 : memref<128x128xf32, #tpu.memory_space<vmem_shared>>) dst(%arg9 : memref<128x128xf32, #tpu.memory_space<vmem>>)
      tpu.yield
    }) : () -> ()
    "tpu.region"() ({
      %run_scoped3A = tpu.sem_alloc : memref<!tpu.dma_semaphore, #tpu.memory_space<semaphore_mem>>
      %dma_start3A = arith.constant 0 : i32
      %dma_start3A_47 = tpu.memref_slice %arg6[%arg0, %add3A_30, %dma_start3A] : memref<2x10240x128xf32, #tpu.memory_space<hbm>> -> memref<1x128x128xf32, #tpu.memory_space<hbm>>
      %dma_start3A_48 = tpu.memref_squeeze %dma_start3A_47 : memref<1x128x128xf32, #tpu.memory_space<hbm>> -> memref<128x128xf32, #tpu.memory_space<hbm>>
      %dma_start3A_49 = arith.constant 0 : i32
      %dma_start3A_50 = tpu.memref_slice %arg6[%arg0, %add3A_30, %dma_start3A_49] : memref<2x10240x128xf32, #tpu.memory_space<hbm>> -> memref<1x128x128xf32, #tpu.memory_space<hbm>>
      %dma_start3A_51 = tpu.memref_squeeze %dma_start3A_50 : memref<1x128x128xf32, #tpu.memory_space<hbm>> -> memref<128x128xf32, #tpu.memory_space<hbm>>
      tpu.enqueue_dma source(%arg9 : memref<128x128xf32, #tpu.memory_space<vmem>>) target(%dma_start3A_51 : memref<128x128xf32, #tpu.memory_space<hbm>>) target_semaphore(%run_scoped3A : memref<!tpu.dma_semaphore, #tpu.memory_space<semaphore_mem>>)
      %dma_wait3A = arith.constant 0 : i32
      %dma_wait3A_52 = tpu.memref_slice %arg6[%arg0, %add3A_30, %dma_wait3A] : memref<2x10240x128xf32, #tpu.memory_space<hbm>> -> memref<1x128x128xf32, #tpu.memory_space<hbm>>
      %dma_wait3A_53 = tpu.memref_squeeze %dma_wait3A_52 : memref<1x128x128xf32, #tpu.memory_space<hbm>> -> memref<128x128xf32, #tpu.memory_space<hbm>>
      %dma_wait3A_54 = arith.constant 0 : i32
      %dma_wait3A_55 = tpu.memref_slice %arg6[%arg0, %add3A_30, %dma_wait3A_54] : memref<2x10240x128xf32, #tpu.memory_space<hbm>> -> memref<1x128x128xf32, #tpu.memory_space<hbm>>
      %dma_wait3A_56 = tpu.memref_squeeze %dma_wait3A_55 : memref<1x128x128xf32, #tpu.memory_space<hbm>> -> memref<128x128xf32, #tpu.memory_space<hbm>>
      tpu.wait_dma2 semaphore(%run_scoped3A : memref<!tpu.dma_semaphore, #tpu.memory_space<semaphore_mem>>) src(%arg9 : memref<128x128xf32, #tpu.memory_space<vmem>>) dst(%dma_wait3A_56 : memref<128x128xf32, #tpu.memory_space<hbm>>)
      tpu.yield
    }) : () -> ()
    %mul3A_31 = arith.constant 640 : i32
    %mul3A_32 = arith.muli %arg1, %mul3A_31 : i32
    %add3A_33 = arith.constant 128 : i32
    %add3A_34 = arith.addi %mul3A_32, %add3A_33 : i32
    "tpu.region"() ({
      %run_scoped3A = tpu.sem_alloc : memref<!tpu.dma_semaphore, #tpu.memory_space<semaphore_mem>>
      %dma_start3A = arith.constant 0 : i32
      %dma_start3A_47 = tpu.memref_slice %arg10[%add3A_34, %dma_start3A] : memref<10240x128xf32, #tpu.memory_space<vmem_shared>> -> memref<128x128xf32, #tpu.memory_space<vmem_shared>>
      %dma_start3A_48 = arith.constant 0 : i32
      %dma_start3A_49 = tpu.memref_slice %arg10[%add3A_34, %dma_start3A_48] : memref<10240x128xf32, #tpu.memory_space<vmem_shared>> -> memref<128x128xf32, #tpu.memory_space<vmem_shared>>
      tpu.enqueue_dma source(%dma_start3A_49 : memref<128x128xf32, #tpu.memory_space<vmem_shared>>) target(%arg9 : memref<128x128xf32, #tpu.memory_space<vmem>>) target_semaphore(%run_scoped3A : memref<!tpu.dma_semaphore, #tpu.memory_space<semaphore_mem>>)
      %dma_wait3A = arith.constant 0 : i32
      %dma_wait3A_50 = tpu.memref_slice %arg10[%add3A_34, %dma_wait3A] : memref<10240x128xf32, #tpu.memory_space<vmem_shared>> -> memref<128x128xf32, #tpu.memory_space<vmem_shared>>
      %dma_wait3A_51 = arith.constant 0 : i32
      %dma_wait3A_52 = tpu.memref_slice %arg10[%add3A_34, %dma_wait3A_51] : memref<10240x128xf32, #tpu.memory_space<vmem_shared>> -> memref<128x128xf32, #tpu.memory_space<vmem_shared>>
      tpu.wait_dma2 semaphore(%run_scoped3A : memref<!tpu.dma_semaphore, #tpu.memory_space<semaphore_mem>>) src(%dma_wait3A_52 : memref<128x128xf32, #tpu.memory_space<vmem_shared>>) dst(%arg9 : memref<128x128xf32, #tpu.memory_space<vmem>>)
      tpu.yield
    }) : () -> ()
    "tpu.region"() ({
      %run_scoped3A = tpu.sem_alloc : memref<!tpu.dma_semaphore, #tpu.memory_space<semaphore_mem>>
      %dma_start3A = arith.constant 0 : i32
      %dma_start3A_47 = tpu.memref_slice %arg6[%arg0, %add3A_34, %dma_start3A] : memref<2x10240x128xf32, #tpu.memory_space<hbm>> -> memref<1x128x128xf32, #tpu.memory_space<hbm>>
      %dma_start3A_48 = tpu.memref_squeeze %dma_start3A_47 : memref<1x128x128xf32, #tpu.memory_space<hbm>> -> memref<128x128xf32, #tpu.memory_space<hbm>>
      %dma_start3A_49 = arith.constant 0 : i32
      %dma_start3A_50 = tpu.memref_slice %arg6[%arg0, %add3A_34, %dma_start3A_49] : memref<2x10240x128xf32, #tpu.memory_space<hbm>> -> memref<1x128x128xf32, #tpu.memory_space<hbm>>
      %dma_start3A_51 = tpu.memref_squeeze %dma_start3A_50 : memref<1x128x128xf32, #tpu.memory_space<hbm>> -> memref<128x128xf32, #tpu.memory_space<hbm>>
      tpu.enqueue_dma source(%arg9 : memref<128x128xf32, #tpu.memory_space<vmem>>) target(%dma_start3A_51 : memref<128x128xf32, #tpu.memory_space<hbm>>) target_semaphore(%run_scoped3A : memref<!tpu.dma_semaphore, #tpu.memory_space<semaphore_mem>>)
      %dma_wait3A = arith.constant 0 : i32
      %dma_wait3A_52 = tpu.memref_slice %arg6[%arg0, %add3A_34, %dma_wait3A] : memref<2x10240x128xf32, #tpu.memory_space<hbm>> -> memref<1x128x128xf32, #tpu.memory_space<hbm>>
      %dma_wait3A_53 = tpu.memref_squeeze %dma_wait3A_52 : memref<1x128x128xf32, #tpu.memory_space<hbm>> -> memref<128x128xf32, #tpu.memory_space<hbm>>
      %dma_wait3A_54 = arith.constant 0 : i32
      %dma_wait3A_55 = tpu.memref_slice %arg6[%arg0, %add3A_34, %dma_wait3A_54] : memref<2x10240x128xf32, #tpu.memory_space<hbm>> -> memref<1x128x128xf32, #tpu.memory_space<hbm>>
      %dma_wait3A_56 = tpu.memref_squeeze %dma_wait3A_55 : memref<1x128x128xf32, #tpu.memory_space<hbm>> -> memref<128x128xf32, #tpu.memory_space<hbm>>
      tpu.wait_dma2 semaphore(%run_scoped3A : memref<!tpu.dma_semaphore, #tpu.memory_space<semaphore_mem>>) src(%arg9 : memref<128x128xf32, #tpu.memory_space<vmem>>) dst(%dma_wait3A_56 : memref<128x128xf32, #tpu.memory_space<hbm>>)
      tpu.yield
    }) : () -> ()
    %mul3A_35 = arith.constant 640 : i32
    %mul3A_36 = arith.muli %arg1, %mul3A_35 : i32
    %add3A_37 = arith.constant 256 : i32
    %add3A_38 = arith.addi %mul3A_36, %add3A_37 : i32
    "tpu.region"() ({
      %run_scoped3A = tpu.sem_alloc : memref<!tpu.dma_semaphore, #tpu.memory_space<semaphore_mem>>
      %dma_start3A = arith.constant 0 : i32
      %dma_start3A_47 = tpu.memref_slice %arg10[%add3A_38, %dma_start3A] : memref<10240x128xf32, #tpu.memory_space<vmem_shared>> -> memref<128x128xf32, #tpu.memory_space<vmem_shared>>
      %dma_start3A_48 = arith.constant 0 : i32
      %dma_start3A_49 = tpu.memref_slice %arg10[%add3A_38, %dma_start3A_48] : memref<10240x128xf32, #tpu.memory_space<vmem_shared>> -> memref<128x128xf32, #tpu.memory_space<vmem_shared>>
      tpu.enqueue_dma source(%dma_start3A_49 : memref<128x128xf32, #tpu.memory_space<vmem_shared>>) target(%arg9 : memref<128x128xf32, #tpu.memory_space<vmem>>) target_semaphore(%run_scoped3A : memref<!tpu.dma_semaphore, #tpu.memory_space<semaphore_mem>>)
      %dma_wait3A = arith.constant 0 : i32
      %dma_wait3A_50 = tpu.memref_slice %arg10[%add3A_38, %dma_wait3A] : memref<10240x128xf32, #tpu.memory_space<vmem_shared>> -> memref<128x128xf32, #tpu.memory_space<vmem_shared>>
      %dma_wait3A_51 = arith.constant 0 : i32
      %dma_wait3A_52 = tpu.memref_slice %arg10[%add3A_38, %dma_wait3A_51] : memref<10240x128xf32, #tpu.memory_space<vmem_shared>> -> memref<128x128xf32, #tpu.memory_space<vmem_shared>>
      tpu.wait_dma2 semaphore(%run_scoped3A : memref<!tpu.dma_semaphore, #tpu.memory_space<semaphore_mem>>) src(%dma_wait3A_52 : memref<128x128xf32, #tpu.memory_space<vmem_shared>>) dst(%arg9 : memref<128x128xf32, #tpu.memory_space<vmem>>)
      tpu.yield
    }) : () -> ()
    "tpu.region"() ({
      %run_scoped3A = tpu.sem_alloc : memref<!tpu.dma_semaphore, #tpu.memory_space<semaphore_mem>>
      %dma_start3A = arith.constant 0 : i32
      %dma_start3A_47 = tpu.memref_slice %arg6[%arg0, %add3A_38, %dma_start3A] : memref<2x10240x128xf32, #tpu.memory_space<hbm>> -> memref<1x128x128xf32, #tpu.memory_space<hbm>>
      %dma_start3A_48 = tpu.memref_squeeze %dma_start3A_47 : memref<1x128x128xf32, #tpu.memory_space<hbm>> -> memref<128x128xf32, #tpu.memory_space<hbm>>
      %dma_start3A_49 = arith.constant 0 : i32
      %dma_start3A_50 = tpu.memref_slice %arg6[%arg0, %add3A_38, %dma_start3A_49] : memref<2x10240x128xf32, #tpu.memory_space<hbm>> -> memref<1x128x128xf32, #tpu.memory_space<hbm>>
      %dma_start3A_51 = tpu.memref_squeeze %dma_start3A_50 : memref<1x128x128xf32, #tpu.memory_space<hbm>> -> memref<128x128xf32, #tpu.memory_space<hbm>>
      tpu.enqueue_dma source(%arg9 : memref<128x128xf32, #tpu.memory_space<vmem>>) target(%dma_start3A_51 : memref<128x128xf32, #tpu.memory_space<hbm>>) target_semaphore(%run_scoped3A : memref<!tpu.dma_semaphore, #tpu.memory_space<semaphore_mem>>)
      %dma_wait3A = arith.constant 0 : i32
      %dma_wait3A_52 = tpu.memref_slice %arg6[%arg0, %add3A_38, %dma_wait3A] : memref<2x10240x128xf32, #tpu.memory_space<hbm>> -> memref<1x128x128xf32, #tpu.memory_space<hbm>>
      %dma_wait3A_53 = tpu.memref_squeeze %dma_wait3A_52 : memref<1x128x128xf32, #tpu.memory_space<hbm>> -> memref<128x128xf32, #tpu.memory_space<hbm>>
      %dma_wait3A_54 = arith.constant 0 : i32
      %dma_wait3A_55 = tpu.memref_slice %arg6[%arg0, %add3A_38, %dma_wait3A_54] : memref<2x10240x128xf32, #tpu.memory_space<hbm>> -> memref<1x128x128xf32, #tpu.memory_space<hbm>>
      %dma_wait3A_56 = tpu.memref_squeeze %dma_wait3A_55 : memref<1x128x128xf32, #tpu.memory_space<hbm>> -> memref<128x128xf32, #tpu.memory_space<hbm>>
      tpu.wait_dma2 semaphore(%run_scoped3A : memref<!tpu.dma_semaphore, #tpu.memory_space<semaphore_mem>>) src(%arg9 : memref<128x128xf32, #tpu.memory_space<vmem>>) dst(%dma_wait3A_56 : memref<128x128xf32, #tpu.memory_space<hbm>>)
      tpu.yield
    }) : () -> ()
    %mul3A_39 = arith.constant 640 : i32
    %mul3A_40 = arith.muli %arg1, %mul3A_39 : i32
    %add3A_41 = arith.constant 384 : i32
    %add3A_42 = arith.addi %mul3A_40, %add3A_41 : i32
    "tpu.region"() ({
      %run_scoped3A = tpu.sem_alloc : memref<!tpu.dma_semaphore, #tpu.memory_space<semaphore_mem>>
      %dma_start3A = arith.constant 0 : i32
      %dma_start3A_47 = tpu.memref_slice %arg10[%add3A_42, %dma_start3A] : memref<10240x128xf32, #tpu.memory_space<vmem_shared>> -> memref<128x128xf32, #tpu.memory_space<vmem_shared>>
      %dma_start3A_48 = arith.constant 0 : i32
      %dma_start3A_49 = tpu.memref_slice %arg10[%add3A_42, %dma_start3A_48] : memref<10240x128xf32, #tpu.memory_space<vmem_shared>> -> memref<128x128xf32, #tpu.memory_space<vmem_shared>>
      tpu.enqueue_dma source(%dma_start3A_49 : memref<128x128xf32, #tpu.memory_space<vmem_shared>>) target(%arg9 : memref<128x128xf32, #tpu.memory_space<vmem>>) target_semaphore(%run_scoped3A : memref<!tpu.dma_semaphore, #tpu.memory_space<semaphore_mem>>)
      %dma_wait3A = arith.constant 0 : i32
      %dma_wait3A_50 = tpu.memref_slice %arg10[%add3A_42, %dma_wait3A] : memref<10240x128xf32, #tpu.memory_space<vmem_shared>> -> memref<128x128xf32, #tpu.memory_space<vmem_shared>>
      %dma_wait3A_51 = arith.constant 0 : i32
      %dma_wait3A_52 = tpu.memref_slice %arg10[%add3A_42, %dma_wait3A_51] : memref<10240x128xf32, #tpu.memory_space<vmem_shared>> -> memref<128x128xf32, #tpu.memory_space<vmem_shared>>
      tpu.wait_dma2 semaphore(%run_scoped3A : memref<!tpu.dma_semaphore, #tpu.memory_space<semaphore_mem>>) src(%dma_wait3A_52 : memref<128x128xf32, #tpu.memory_space<vmem_shared>>) dst(%arg9 : memref<128x128xf32, #tpu.memory_space<vmem>>)
      tpu.yield
    }) : () -> ()
    "tpu.region"() ({
      %run_scoped3A = tpu.sem_alloc : memref<!tpu.dma_semaphore, #tpu.memory_space<semaphore_mem>>
      %dma_start3A = arith.constant 0 : i32
      %dma_start3A_47 = tpu.memref_slice %arg6[%arg0, %add3A_42, %dma_start3A] : memref<2x10240x128xf32, #tpu.memory_space<hbm>> -> memref<1x128x128xf32, #tpu.memory_space<hbm>>
      %dma_start3A_48 = tpu.memref_squeeze %dma_start3A_47 : memref<1x128x128xf32, #tpu.memory_space<hbm>> -> memref<128x128xf32, #tpu.memory_space<hbm>>
      %dma_start3A_49 = arith.constant 0 : i32
      %dma_start3A_50 = tpu.memref_slice %arg6[%arg0, %add3A_42, %dma_start3A_49] : memref<2x10240x128xf32, #tpu.memory_space<hbm>> -> memref<1x128x128xf32, #tpu.memory_space<hbm>>
      %dma_start3A_51 = tpu.memref_squeeze %dma_start3A_50 : memref<1x128x128xf32, #tpu.memory_space<hbm>> -> memref<128x128xf32, #tpu.memory_space<hbm>>
      tpu.enqueue_dma source(%arg9 : memref<128x128xf32, #tpu.memory_space<vmem>>) target(%dma_start3A_51 : memref<128x128xf32, #tpu.memory_space<hbm>>) target_semaphore(%run_scoped3A : memref<!tpu.dma_semaphore, #tpu.memory_space<semaphore_mem>>)
      %dma_wait3A = arith.constant 0 : i32
      %dma_wait3A_52 = tpu.memref_slice %arg6[%arg0, %add3A_42, %dma_wait3A] : memref<2x10240x128xf32, #tpu.memory_space<hbm>> -> memref<1x128x128xf32, #tpu.memory_space<hbm>>
      %dma_wait3A_53 = tpu.memref_squeeze %dma_wait3A_52 : memref<1x128x128xf32, #tpu.memory_space<hbm>> -> memref<128x128xf32, #tpu.memory_space<hbm>>
      %dma_wait3A_54 = arith.constant 0 : i32
      %dma_wait3A_55 = tpu.memref_slice %arg6[%arg0, %add3A_42, %dma_wait3A_54] : memref<2x10240x128xf32, #tpu.memory_space<hbm>> -> memref<1x128x128xf32, #tpu.memory_space<hbm>>
      %dma_wait3A_56 = tpu.memref_squeeze %dma_wait3A_55 : memref<1x128x128xf32, #tpu.memory_space<hbm>> -> memref<128x128xf32, #tpu.memory_space<hbm>>
      tpu.wait_dma2 semaphore(%run_scoped3A : memref<!tpu.dma_semaphore, #tpu.memory_space<semaphore_mem>>) src(%arg9 : memref<128x128xf32, #tpu.memory_space<vmem>>) dst(%dma_wait3A_56 : memref<128x128xf32, #tpu.memory_space<hbm>>)
      tpu.yield
    }) : () -> ()
    %mul3A_43 = arith.constant 640 : i32
    %mul3A_44 = arith.muli %arg1, %mul3A_43 : i32
    %add3A_45 = arith.constant 512 : i32
    %add3A_46 = arith.addi %mul3A_44, %add3A_45 : i32
    "tpu.region"() ({
      %run_scoped3A = tpu.sem_alloc : memref<!tpu.dma_semaphore, #tpu.memory_space<semaphore_mem>>
      %dma_start3A = arith.constant 0 : i32
      %dma_start3A_47 = tpu.memref_slice %arg10[%add3A_46, %dma_start3A] : memref<10240x128xf32, #tpu.memory_space<vmem_shared>> -> memref<128x128xf32, #tpu.memory_space<vmem_shared>>
      %dma_start3A_48 = arith.constant 0 : i32
      %dma_start3A_49 = tpu.memref_slice %arg10[%add3A_46, %dma_start3A_48] : memref<10240x128xf32, #tpu.memory_space<vmem_shared>> -> memref<128x128xf32, #tpu.memory_space<vmem_shared>>
      tpu.enqueue_dma source(%dma_start3A_49 : memref<128x128xf32, #tpu.memory_space<vmem_shared>>) target(%arg9 : memref<128x128xf32, #tpu.memory_space<vmem>>) target_semaphore(%run_scoped3A : memref<!tpu.dma_semaphore, #tpu.memory_space<semaphore_mem>>)
      %dma_wait3A = arith.constant 0 : i32
      %dma_wait3A_50 = tpu.memref_slice %arg10[%add3A_46, %dma_wait3A] : memref<10240x128xf32, #tpu.memory_space<vmem_shared>> -> memref<128x128xf32, #tpu.memory_space<vmem_shared>>
      %dma_wait3A_51 = arith.constant 0 : i32
      %dma_wait3A_52 = tpu.memref_slice %arg10[%add3A_46, %dma_wait3A_51] : memref<10240x128xf32, #tpu.memory_space<vmem_shared>> -> memref<128x128xf32, #tpu.memory_space<vmem_shared>>
      tpu.wait_dma2 semaphore(%run_scoped3A : memref<!tpu.dma_semaphore, #tpu.memory_space<semaphore_mem>>) src(%dma_wait3A_52 : memref<128x128xf32, #tpu.memory_space<vmem_shared>>) dst(%arg9 : memref<128x128xf32, #tpu.memory_space<vmem>>)
      tpu.yield
    }) : () -> ()
    "tpu.region"() ({
      %run_scoped3A = tpu.sem_alloc : memref<!tpu.dma_semaphore, #tpu.memory_space<semaphore_mem>>
      %dma_start3A = arith.constant 0 : i32
      %dma_start3A_47 = tpu.memref_slice %arg6[%arg0, %add3A_46, %dma_start3A] : memref<2x10240x128xf32, #tpu.memory_space<hbm>> -> memref<1x128x128xf32, #tpu.memory_space<hbm>>
      %dma_start3A_48 = tpu.memref_squeeze %dma_start3A_47 : memref<1x128x128xf32, #tpu.memory_space<hbm>> -> memref<128x128xf32, #tpu.memory_space<hbm>>
      %dma_start3A_49 = arith.constant 0 : i32
      %dma_start3A_50 = tpu.memref_slice %arg6[%arg0, %add3A_46, %dma_start3A_49] : memref<2x10240x128xf32, #tpu.memory_space<hbm>> -> memref<1x128x128xf32, #tpu.memory_space<hbm>>
      %dma_start3A_51 = tpu.memref_squeeze %dma_start3A_50 : memref<1x128x128xf32, #tpu.memory_space<hbm>> -> memref<128x128xf32, #tpu.memory_space<hbm>>
      tpu.enqueue_dma source(%arg9 : memref<128x128xf32, #tpu.memory_space<vmem>>) target(%dma_start3A_51 : memref<128x128xf32, #tpu.memory_space<hbm>>) target_semaphore(%run_scoped3A : memref<!tpu.dma_semaphore, #tpu.memory_space<semaphore_mem>>)
      %dma_wait3A = arith.constant 0 : i32
      %dma_wait3A_52 = tpu.memref_slice %arg6[%arg0, %add3A_46, %dma_wait3A] : memref<2x10240x128xf32, #tpu.memory_space<hbm>> -> memref<1x128x128xf32, #tpu.memory_space<hbm>>
      %dma_wait3A_53 = tpu.memref_squeeze %dma_wait3A_52 : memref<1x128x128xf32, #tpu.memory_space<hbm>> -> memref<128x128xf32, #tpu.memory_space<hbm>>
      %dma_wait3A_54 = arith.constant 0 : i32
      %dma_wait3A_55 = tpu.memref_slice %arg6[%arg0, %add3A_46, %dma_wait3A_54] : memref<2x10240x128xf32, #tpu.memory_space<hbm>> -> memref<1x128x128xf32, #tpu.memory_space<hbm>>
      %dma_wait3A_56 = tpu.memref_squeeze %dma_wait3A_55 : memref<1x128x128xf32, #tpu.memory_space<hbm>> -> memref<128x128xf32, #tpu.memory_space<hbm>>
      tpu.wait_dma2 semaphore(%run_scoped3A : memref<!tpu.dma_semaphore, #tpu.memory_space<semaphore_mem>>) src(%arg9 : memref<128x128xf32, #tpu.memory_space<vmem>>) dst(%dma_wait3A_56 : memref<128x128xf32, #tpu.memory_space<hbm>>)
      tpu.yield
    }) : () -> ()
    return
  }
}

#map = affine_map<(d0, d1) -> (0, 0, 0)>
#map1 = affine_map<(d0, d1) -> (0)>
#map2 = affine_map<(d0, d1) -> (0, 0)>
module attributes {stable_mosaic.version = 14 : i64} {
  func.func @_deg_kernel(%arg0: i32, %arg1: i32, %arg2: memref<32x79x128xi32, #tpu.memory_space<hbm>>, %arg3: memref<128xf32, #tpu.memory_space<hbm>>, %arg4: memref<640xf32, #tpu.memory_space<hbm>>, %arg5: memref<2x10240xf32, #tpu.memory_space<hbm>>, %arg6: memref<79x128xi32, #tpu.memory_space<vmem>>, %arg7: memref<128xf32, #tpu.memory_space<vmem>>, %arg8: memref<640xf32, #tpu.memory_space<vmem>>, %arg9: memref<10240xf32, #tpu.memory_space<vmem_shared>>) attributes {dimension_semantics = [#tpu.dimension_semantics<core_parallel>, #tpu.dimension_semantics<subcore_parallel>], iteration_bounds = array<i64: 2, 16>, scalar_prefetch = 0 : i64, scratch_operands = 4 : i64, tpu.core_type = #tpu.core_type<sc_vector_subcore>, window_params = [{transform_indices = #map}, {transform_indices = #map1}, {transform_indices = #map1}, {transform_indices = #map2}]} {
    %mul3A = arith.constant 16 : i32
    %mul3A_0 = arith.muli %arg0, %mul3A : i32
    %add3A = arith.addi %mul3A_0, %arg1 : i32
    "tpu.region"() ({
      %run_scoped3A = tpu.sem_alloc : memref<!tpu.dma_semaphore, #tpu.memory_space<semaphore_mem>>
      tpu.enqueue_dma source(%arg4 : memref<640xf32, #tpu.memory_space<hbm>>) target(%arg8 : memref<640xf32, #tpu.memory_space<vmem>>) target_semaphore(%run_scoped3A : memref<!tpu.dma_semaphore, #tpu.memory_space<semaphore_mem>>)
      tpu.wait_dma2 semaphore(%run_scoped3A : memref<!tpu.dma_semaphore, #tpu.memory_space<semaphore_mem>>) src(%arg4 : memref<640xf32, #tpu.memory_space<hbm>>) dst(%arg8 : memref<640xf32, #tpu.memory_space<vmem>>)
      tpu.yield
    }) : () -> ()
    "tpu.region"() ({
      %run_scoped3A = tpu.sem_alloc : memref<!tpu.dma_semaphore, #tpu.memory_space<semaphore_mem>>
      tpu.enqueue_dma source(%arg3 : memref<128xf32, #tpu.memory_space<hbm>>) target(%arg7 : memref<128xf32, #tpu.memory_space<vmem>>) target_semaphore(%run_scoped3A : memref<!tpu.dma_semaphore, #tpu.memory_space<semaphore_mem>>)
      tpu.wait_dma2 semaphore(%run_scoped3A : memref<!tpu.dma_semaphore, #tpu.memory_space<semaphore_mem>>) src(%arg3 : memref<128xf32, #tpu.memory_space<hbm>>) dst(%arg7 : memref<128xf32, #tpu.memory_space<vmem>>)
      tpu.yield
    }) : () -> ()
    %mul3A_1 = arith.constant 640 : i32
    %mul3A_2 = arith.muli %arg1, %mul3A_1 : i32
    "tpu.region"() ({
      %run_scoped3A = tpu.sem_alloc : memref<!tpu.dma_semaphore, #tpu.memory_space<semaphore_mem>>
      %dma_start3A = tpu.memref_slice %arg9[%mul3A_2] : memref<10240xf32, #tpu.memory_space<vmem_shared>> -> memref<640xf32, #tpu.memory_space<vmem_shared>>
      %dma_start3A_13 = tpu.memref_slice %arg9[%mul3A_2] : memref<10240xf32, #tpu.memory_space<vmem_shared>> -> memref<640xf32, #tpu.memory_space<vmem_shared>>
      tpu.enqueue_dma source(%arg8 : memref<640xf32, #tpu.memory_space<vmem>>) target(%dma_start3A_13 : memref<640xf32, #tpu.memory_space<vmem_shared>>) target_semaphore(%run_scoped3A : memref<!tpu.dma_semaphore, #tpu.memory_space<semaphore_mem>>)
      %dma_wait3A = tpu.memref_slice %arg9[%mul3A_2] : memref<10240xf32, #tpu.memory_space<vmem_shared>> -> memref<640xf32, #tpu.memory_space<vmem_shared>>
      %dma_wait3A_14 = tpu.memref_slice %arg9[%mul3A_2] : memref<10240xf32, #tpu.memory_space<vmem_shared>> -> memref<640xf32, #tpu.memory_space<vmem_shared>>
      tpu.wait_dma2 semaphore(%run_scoped3A : memref<!tpu.dma_semaphore, #tpu.memory_space<semaphore_mem>>) src(%arg8 : memref<640xf32, #tpu.memory_space<vmem>>) dst(%dma_wait3A_14 : memref<640xf32, #tpu.memory_space<vmem_shared>>)
      tpu.yield
    }) : () -> ()
    %barrier3A = arith.constant 0 : index
    tpu.barrier barrier_id(%barrier3A)
    "tpu.region"() ({
      %run_scoped3A = tpu.sem_alloc : memref<!tpu.dma_semaphore, #tpu.memory_space<semaphore_mem>>
      %dma_start3A = arith.constant 0 : i32
      %dma_start3A_13 = arith.constant 0 : i32
      %dma_start3A_14 = tpu.memref_slice %arg2[%add3A, %dma_start3A, %dma_start3A_13] : memref<32x79x128xi32, #tpu.memory_space<hbm>> -> memref<1x79x128xi32, #tpu.memory_space<hbm>>
      %dma_start3A_15 = tpu.memref_squeeze %dma_start3A_14 : memref<1x79x128xi32, #tpu.memory_space<hbm>> -> memref<79x128xi32, #tpu.memory_space<hbm>>
      %dma_start3A_16 = arith.constant 0 : i32
      %dma_start3A_17 = arith.constant 0 : i32
      %dma_start3A_18 = tpu.memref_slice %arg2[%add3A, %dma_start3A_16, %dma_start3A_17] : memref<32x79x128xi32, #tpu.memory_space<hbm>> -> memref<1x79x128xi32, #tpu.memory_space<hbm>>
      %dma_start3A_19 = tpu.memref_squeeze %dma_start3A_18 : memref<1x79x128xi32, #tpu.memory_space<hbm>> -> memref<79x128xi32, #tpu.memory_space<hbm>>
      tpu.enqueue_dma source(%dma_start3A_19 : memref<79x128xi32, #tpu.memory_space<hbm>>) target(%arg6 : memref<79x128xi32, #tpu.memory_space<vmem>>) target_semaphore(%run_scoped3A : memref<!tpu.dma_semaphore, #tpu.memory_space<semaphore_mem>>)
      %dma_wait3A = arith.constant 0 : i32
      %dma_wait3A_20 = arith.constant 0 : i32
      %dma_wait3A_21 = tpu.memref_slice %arg2[%add3A, %dma_wait3A, %dma_wait3A_20] : memref<32x79x128xi32, #tpu.memory_space<hbm>> -> memref<1x79x128xi32, #tpu.memory_space<hbm>>
      %dma_wait3A_22 = tpu.memref_squeeze %dma_wait3A_21 : memref<1x79x128xi32, #tpu.memory_space<hbm>> -> memref<79x128xi32, #tpu.memory_space<hbm>>
      %dma_wait3A_23 = arith.constant 0 : i32
      %dma_wait3A_24 = arith.constant 0 : i32
      %dma_wait3A_25 = tpu.memref_slice %arg2[%add3A, %dma_wait3A_23, %dma_wait3A_24] : memref<32x79x128xi32, #tpu.memory_space<hbm>> -> memref<1x79x128xi32, #tpu.memory_space<hbm>>
      %dma_wait3A_26 = tpu.memref_squeeze %dma_wait3A_25 : memref<1x79x128xi32, #tpu.memory_space<hbm>> -> memref<79x128xi32, #tpu.memory_space<hbm>>
      tpu.wait_dma2 semaphore(%run_scoped3A : memref<!tpu.dma_semaphore, #tpu.memory_space<semaphore_mem>>) src(%dma_wait3A_26 : memref<79x128xi32, #tpu.memory_space<hbm>>) dst(%arg6 : memref<79x128xi32, #tpu.memory_space<vmem>>)
      tpu.yield
    }) : () -> ()
    %scan3A = arith.constant 0 : i32
    %scan3A_3 = arith.constant 0 : i32
    %scan3A_4 = arith.constant 79 : i32
    %scan3A_5 = arith.addi %scan3A_3, %scan3A_4 : i32
    %scan3A_6 = arith.constant 1 : i32
    scf.for %scan3A_13 = %scan3A_3 to %scan3A_5 step %scan3A_6  : i32 {
      "tpu.region"() ({
        %run_scoped3A = tpu.sem_alloc : memref<!tpu.dma_semaphore, #tpu.memory_space<semaphore_mem>>
        %dma_start3A = arith.constant 0 : i32
        %dma_start3A_14 = tpu.memref_slice %arg6[%scan3A_13, %dma_start3A] : memref<79x128xi32, #tpu.memory_space<vmem>> -> memref<1x128xi32, #tpu.memory_space<vmem>>
        %dma_start3A_15 = tpu.memref_squeeze %dma_start3A_14 : memref<1x128xi32, #tpu.memory_space<vmem>> -> memref<128xi32, #tpu.memory_space<vmem>>
        %dma_start3A_16 = arith.constant 0 : i32
        %dma_start3A_17 = tpu.memref_slice %arg9[%dma_start3A_16] : memref<10240xf32, #tpu.memory_space<vmem_shared>> -> memref<10240xf32, #tpu.memory_space<vmem_shared>>
        tpu.enqueue_indirect_dma source(%arg7 : memref<128xf32, #tpu.memory_space<vmem>>) target(%dma_start3A_17 : memref<10240xf32, #tpu.memory_space<vmem_shared>>) offsets(%dma_start3A_15 : memref<128xi32, #tpu.memory_space<vmem>>) semaphore(%run_scoped3A : memref<!tpu.dma_semaphore, #tpu.memory_space<semaphore_mem>>) {add = true}
        %dma_wait3A = arith.constant 0 : i32
        %dma_wait3A_18 = tpu.memref_slice %arg6[%scan3A_13, %dma_wait3A] : memref<79x128xi32, #tpu.memory_space<vmem>> -> memref<1x128xi32, #tpu.memory_space<vmem>>
        %dma_wait3A_19 = tpu.memref_squeeze %dma_wait3A_18 : memref<1x128xi32, #tpu.memory_space<vmem>> -> memref<128xi32, #tpu.memory_space<vmem>>
        %dma_wait3A_20 = arith.constant 0 : i32
        %dma_wait3A_21 = tpu.memref_slice %arg9[%dma_wait3A_20] : memref<10240xf32, #tpu.memory_space<vmem_shared>> -> memref<10240xf32, #tpu.memory_space<vmem_shared>>
        tpu.wait_indirect_dma semaphore(%run_scoped3A : memref<!tpu.dma_semaphore, #tpu.memory_space<semaphore_mem>>) src(%arg7 : memref<128xf32, #tpu.memory_space<vmem>>) dst(%dma_wait3A_21 : memref<10240xf32, #tpu.memory_space<vmem_shared>>)
        tpu.yield
      }) : () -> ()
    }
    %scan3A_7 = arith.constant 79 : i32
    %barrier3A_8 = arith.constant 0 : index
    tpu.barrier barrier_id(%barrier3A_8)
    %mul3A_9 = arith.constant 640 : i32
    %mul3A_10 = arith.muli %arg1, %mul3A_9 : i32
    "tpu.region"() ({
      %run_scoped3A = tpu.sem_alloc : memref<!tpu.dma_semaphore, #tpu.memory_space<semaphore_mem>>
      %dma_start3A = tpu.memref_slice %arg9[%mul3A_10] : memref<10240xf32, #tpu.memory_space<vmem_shared>> -> memref<640xf32, #tpu.memory_space<vmem_shared>>
      %dma_start3A_13 = tpu.memref_slice %arg9[%mul3A_10] : memref<10240xf32, #tpu.memory_space<vmem_shared>> -> memref<640xf32, #tpu.memory_space<vmem_shared>>
      tpu.enqueue_dma source(%dma_start3A_13 : memref<640xf32, #tpu.memory_space<vmem_shared>>) target(%arg8 : memref<640xf32, #tpu.memory_space<vmem>>) target_semaphore(%run_scoped3A : memref<!tpu.dma_semaphore, #tpu.memory_space<semaphore_mem>>)
      %dma_wait3A = tpu.memref_slice %arg9[%mul3A_10] : memref<10240xf32, #tpu.memory_space<vmem_shared>> -> memref<640xf32, #tpu.memory_space<vmem_shared>>
      %dma_wait3A_14 = tpu.memref_slice %arg9[%mul3A_10] : memref<10240xf32, #tpu.memory_space<vmem_shared>> -> memref<640xf32, #tpu.memory_space<vmem_shared>>
      tpu.wait_dma2 semaphore(%run_scoped3A : memref<!tpu.dma_semaphore, #tpu.memory_space<semaphore_mem>>) src(%dma_wait3A_14 : memref<640xf32, #tpu.memory_space<vmem_shared>>) dst(%arg8 : memref<640xf32, #tpu.memory_space<vmem>>)
      tpu.yield
    }) : () -> ()
    %mul3A_11 = arith.constant 640 : i32
    %mul3A_12 = arith.muli %arg1, %mul3A_11 : i32
    "tpu.region"() ({
      %run_scoped3A = tpu.sem_alloc : memref<!tpu.dma_semaphore, #tpu.memory_space<semaphore_mem>>
      %dma_start3A = tpu.memref_slice %arg5[%arg0, %mul3A_12] : memref<2x10240xf32, #tpu.memory_space<hbm>> -> memref<1x640xf32, #tpu.memory_space<hbm>>
      %dma_start3A_13 = tpu.memref_squeeze %dma_start3A : memref<1x640xf32, #tpu.memory_space<hbm>> -> memref<640xf32, #tpu.memory_space<hbm>>
      %dma_start3A_14 = tpu.memref_slice %arg5[%arg0, %mul3A_12] : memref<2x10240xf32, #tpu.memory_space<hbm>> -> memref<1x640xf32, #tpu.memory_space<hbm>>
      %dma_start3A_15 = tpu.memref_squeeze %dma_start3A_14 : memref<1x640xf32, #tpu.memory_space<hbm>> -> memref<640xf32, #tpu.memory_space<hbm>>
      tpu.enqueue_dma source(%arg8 : memref<640xf32, #tpu.memory_space<vmem>>) target(%dma_start3A_15 : memref<640xf32, #tpu.memory_space<hbm>>) target_semaphore(%run_scoped3A : memref<!tpu.dma_semaphore, #tpu.memory_space<semaphore_mem>>)
      %dma_wait3A = tpu.memref_slice %arg5[%arg0, %mul3A_12] : memref<2x10240xf32, #tpu.memory_space<hbm>> -> memref<1x640xf32, #tpu.memory_space<hbm>>
      %dma_wait3A_16 = tpu.memref_squeeze %dma_wait3A : memref<1x640xf32, #tpu.memory_space<hbm>> -> memref<640xf32, #tpu.memory_space<hbm>>
      %dma_wait3A_17 = tpu.memref_slice %arg5[%arg0, %mul3A_12] : memref<2x10240xf32, #tpu.memory_space<hbm>> -> memref<1x640xf32, #tpu.memory_space<hbm>>
      %dma_wait3A_18 = tpu.memref_squeeze %dma_wait3A_17 : memref<1x640xf32, #tpu.memory_space<hbm>> -> memref<640xf32, #tpu.memory_space<hbm>>
      tpu.wait_dma2 semaphore(%run_scoped3A : memref<!tpu.dma_semaphore, #tpu.memory_space<semaphore_mem>>) src(%arg8 : memref<640xf32, #tpu.memory_space<vmem>>) dst(%dma_wait3A_18 : memref<640xf32, #tpu.memory_space<hbm>>)
      tpu.yield
    }) : () -> ()
    return
  }
}

#map = affine_map<(d0, d1) -> (0, 0)>
#map1 = affine_map<(d0, d1) -> (0, 0, 0)>
module attributes {stable_mosaic.version = 14 : i64} {
  func.func @_msg_kernel(%arg0: i32, %arg1: i32, %arg2: memref<10000x128xf32, #tpu.memory_space<hbm>>, %arg3: memref<32x79x128xi32, #tpu.memory_space<hbm>>, %arg4: memref<32x79x128xi32, #tpu.memory_space<hbm>>, %arg5: memref<128x128xf32, #tpu.memory_space<hbm>>, %arg6: memref<2x10240x128xf32, #tpu.memory_space<hbm>>, %arg7: memref<79x128xi32, #tpu.memory_space<vmem>>, %arg8: memref<79x128xi32, #tpu.memory_space<vmem>>, %arg9: memref<128x128xf32, #tpu.memory_space<vmem>>, %arg10: memref<10240x128xf32, #tpu.memory_space<vmem_shared>>, %arg11: memref<!tpu.dma_semaphore, #tpu.memory_space<semaphore_mem>>) attributes {dimension_semantics = [#tpu.dimension_semantics<core_parallel>, #tpu.dimension_semantics<subcore_parallel>], iteration_bounds = array<i64: 2, 16>, scalar_prefetch = 0 : i64, scratch_operands = 5 : i64, tpu.core_type = #tpu.core_type<sc_vector_subcore>, window_params = [{transform_indices = #map}, {transform_indices = #map1}, {transform_indices = #map1}, {transform_indices = #map}, {transform_indices = #map1}]} {
    %mul3A = arith.constant 16 : i32
    %mul3A_0 = arith.muli %arg0, %mul3A : i32
    %add3A = arith.addi %mul3A_0, %arg1 : i32
    "tpu.region"() ({
      %run_scoped3A = tpu.sem_alloc : memref<!tpu.dma_semaphore, #tpu.memory_space<semaphore_mem>>
      tpu.enqueue_dma source(%arg5 : memref<128x128xf32, #tpu.memory_space<hbm>>) target(%arg9 : memref<128x128xf32, #tpu.memory_space<vmem>>) target_semaphore(%run_scoped3A : memref<!tpu.dma_semaphore, #tpu.memory_space<semaphore_mem>>)
      tpu.wait_dma2 semaphore(%run_scoped3A : memref<!tpu.dma_semaphore, #tpu.memory_space<semaphore_mem>>) src(%arg5 : memref<128x128xf32, #tpu.memory_space<hbm>>) dst(%arg9 : memref<128x128xf32, #tpu.memory_space<vmem>>)
      tpu.yield
    }) : () -> ()
    %mul3A_1 = arith.constant 640 : i32
    %mul3A_2 = arith.muli %arg1, %mul3A_1 : i32
    %add3A_3 = arith.constant 0 : i32
    %add3A_4 = arith.addi %mul3A_2, %add3A_3 : i32
    "tpu.region"() ({
      %run_scoped3A = tpu.sem_alloc : memref<!tpu.dma_semaphore, #tpu.memory_space<semaphore_mem>>
      %dma_start3A = arith.constant 0 : i32
      %dma_start3A_47 = tpu.memref_slice %arg10[%add3A_4, %dma_start3A] : memref<10240x128xf32, #tpu.memory_space<vmem_shared>> -> memref<128x128xf32, #tpu.memory_space<vmem_shared>>
      %dma_start3A_48 = arith.constant 0 : i32
      %dma_start3A_49 = tpu.memref_slice %arg10[%add3A_4, %dma_start3A_48] : memref<10240x128xf32, #tpu.memory_space<vmem_shared>> -> memref<128x128xf32, #tpu.memory_space<vmem_shared>>
      tpu.enqueue_dma source(%arg9 : memref<128x128xf32, #tpu.memory_space<vmem>>) target(%dma_start3A_49 : memref<128x128xf32, #tpu.memory_space<vmem_shared>>) target_semaphore(%run_scoped3A : memref<!tpu.dma_semaphore, #tpu.memory_space<semaphore_mem>>)
      %dma_wait3A = arith.constant 0 : i32
      %dma_wait3A_50 = tpu.memref_slice %arg10[%add3A_4, %dma_wait3A] : memref<10240x128xf32, #tpu.memory_space<vmem_shared>> -> memref<128x128xf32, #tpu.memory_space<vmem_shared>>
      %dma_wait3A_51 = arith.constant 0 : i32
      %dma_wait3A_52 = tpu.memref_slice %arg10[%add3A_4, %dma_wait3A_51] : memref<10240x128xf32, #tpu.memory_space<vmem_shared>> -> memref<128x128xf32, #tpu.memory_space<vmem_shared>>
      tpu.wait_dma2 semaphore(%run_scoped3A : memref<!tpu.dma_semaphore, #tpu.memory_space<semaphore_mem>>) src(%arg9 : memref<128x128xf32, #tpu.memory_space<vmem>>) dst(%dma_wait3A_52 : memref<128x128xf32, #tpu.memory_space<vmem_shared>>)
      tpu.yield
    }) : () -> ()
    %mul3A_5 = arith.constant 640 : i32
    %mul3A_6 = arith.muli %arg1, %mul3A_5 : i32
    %add3A_7 = arith.constant 128 : i32
    %add3A_8 = arith.addi %mul3A_6, %add3A_7 : i32
    "tpu.region"() ({
      %run_scoped3A = tpu.sem_alloc : memref<!tpu.dma_semaphore, #tpu.memory_space<semaphore_mem>>
      %dma_start3A = arith.constant 0 : i32
      %dma_start3A_47 = tpu.memref_slice %arg10[%add3A_8, %dma_start3A] : memref<10240x128xf32, #tpu.memory_space<vmem_shared>> -> memref<128x128xf32, #tpu.memory_space<vmem_shared>>
      %dma_start3A_48 = arith.constant 0 : i32
      %dma_start3A_49 = tpu.memref_slice %arg10[%add3A_8, %dma_start3A_48] : memref<10240x128xf32, #tpu.memory_space<vmem_shared>> -> memref<128x128xf32, #tpu.memory_space<vmem_shared>>
      tpu.enqueue_dma source(%arg9 : memref<128x128xf32, #tpu.memory_space<vmem>>) target(%dma_start3A_49 : memref<128x128xf32, #tpu.memory_space<vmem_shared>>) target_semaphore(%run_scoped3A : memref<!tpu.dma_semaphore, #tpu.memory_space<semaphore_mem>>)
      %dma_wait3A = arith.constant 0 : i32
      %dma_wait3A_50 = tpu.memref_slice %arg10[%add3A_8, %dma_wait3A] : memref<10240x128xf32, #tpu.memory_space<vmem_shared>> -> memref<128x128xf32, #tpu.memory_space<vmem_shared>>
      %dma_wait3A_51 = arith.constant 0 : i32
      %dma_wait3A_52 = tpu.memref_slice %arg10[%add3A_8, %dma_wait3A_51] : memref<10240x128xf32, #tpu.memory_space<vmem_shared>> -> memref<128x128xf32, #tpu.memory_space<vmem_shared>>
      tpu.wait_dma2 semaphore(%run_scoped3A : memref<!tpu.dma_semaphore, #tpu.memory_space<semaphore_mem>>) src(%arg9 : memref<128x128xf32, #tpu.memory_space<vmem>>) dst(%dma_wait3A_52 : memref<128x128xf32, #tpu.memory_space<vmem_shared>>)
      tpu.yield
    }) : () -> ()
    %mul3A_9 = arith.constant 640 : i32
    %mul3A_10 = arith.muli %arg1, %mul3A_9 : i32
    %add3A_11 = arith.constant 256 : i32
    %add3A_12 = arith.addi %mul3A_10, %add3A_11 : i32
    "tpu.region"() ({
      %run_scoped3A = tpu.sem_alloc : memref<!tpu.dma_semaphore, #tpu.memory_space<semaphore_mem>>
      %dma_start3A = arith.constant 0 : i32
      %dma_start3A_47 = tpu.memref_slice %arg10[%add3A_12, %dma_start3A] : memref<10240x128xf32, #tpu.memory_space<vmem_shared>> -> memref<128x128xf32, #tpu.memory_space<vmem_shared>>
      %dma_start3A_48 = arith.constant 0 : i32
      %dma_start3A_49 = tpu.memref_slice %arg10[%add3A_12, %dma_start3A_48] : memref<10240x128xf32, #tpu.memory_space<vmem_shared>> -> memref<128x128xf32, #tpu.memory_space<vmem_shared>>
      tpu.enqueue_dma source(%arg9 : memref<128x128xf32, #tpu.memory_space<vmem>>) target(%dma_start3A_49 : memref<128x128xf32, #tpu.memory_space<vmem_shared>>) target_semaphore(%run_scoped3A : memref<!tpu.dma_semaphore, #tpu.memory_space<semaphore_mem>>)
      %dma_wait3A = arith.constant 0 : i32
      %dma_wait3A_50 = tpu.memref_slice %arg10[%add3A_12, %dma_wait3A] : memref<10240x128xf32, #tpu.memory_space<vmem_shared>> -> memref<128x128xf32, #tpu.memory_space<vmem_shared>>
      %dma_wait3A_51 = arith.constant 0 : i32
      %dma_wait3A_52 = tpu.memref_slice %arg10[%add3A_12, %dma_wait3A_51] : memref<10240x128xf32, #tpu.memory_space<vmem_shared>> -> memref<128x128xf32, #tpu.memory_space<vmem_shared>>
      tpu.wait_dma2 semaphore(%run_scoped3A : memref<!tpu.dma_semaphore, #tpu.memory_space<semaphore_mem>>) src(%arg9 : memref<128x128xf32, #tpu.memory_space<vmem>>) dst(%dma_wait3A_52 : memref<128x128xf32, #tpu.memory_space<vmem_shared>>)
      tpu.yield
    }) : () -> ()
    %mul3A_13 = arith.constant 640 : i32
    %mul3A_14 = arith.muli %arg1, %mul3A_13 : i32
    %add3A_15 = arith.constant 384 : i32
    %add3A_16 = arith.addi %mul3A_14, %add3A_15 : i32
    "tpu.region"() ({
      %run_scoped3A = tpu.sem_alloc : memref<!tpu.dma_semaphore, #tpu.memory_space<semaphore_mem>>
      %dma_start3A = arith.constant 0 : i32
      %dma_start3A_47 = tpu.memref_slice %arg10[%add3A_16, %dma_start3A] : memref<10240x128xf32, #tpu.memory_space<vmem_shared>> -> memref<128x128xf32, #tpu.memory_space<vmem_shared>>
      %dma_start3A_48 = arith.constant 0 : i32
      %dma_start3A_49 = tpu.memref_slice %arg10[%add3A_16, %dma_start3A_48] : memref<10240x128xf32, #tpu.memory_space<vmem_shared>> -> memref<128x128xf32, #tpu.memory_space<vmem_shared>>
      tpu.enqueue_dma source(%arg9 : memref<128x128xf32, #tpu.memory_space<vmem>>) target(%dma_start3A_49 : memref<128x128xf32, #tpu.memory_space<vmem_shared>>) target_semaphore(%run_scoped3A : memref<!tpu.dma_semaphore, #tpu.memory_space<semaphore_mem>>)
      %dma_wait3A = arith.constant 0 : i32
      %dma_wait3A_50 = tpu.memref_slice %arg10[%add3A_16, %dma_wait3A] : memref<10240x128xf32, #tpu.memory_space<vmem_shared>> -> memref<128x128xf32, #tpu.memory_space<vmem_shared>>
      %dma_wait3A_51 = arith.constant 0 : i32
      %dma_wait3A_52 = tpu.memref_slice %arg10[%add3A_16, %dma_wait3A_51] : memref<10240x128xf32, #tpu.memory_space<vmem_shared>> -> memref<128x128xf32, #tpu.memory_space<vmem_shared>>
      tpu.wait_dma2 semaphore(%run_scoped3A : memref<!tpu.dma_semaphore, #tpu.memory_space<semaphore_mem>>) src(%arg9 : memref<128x128xf32, #tpu.memory_space<vmem>>) dst(%dma_wait3A_52 : memref<128x128xf32, #tpu.memory_space<vmem_shared>>)
      tpu.yield
    }) : () -> ()
    %mul3A_17 = arith.constant 640 : i32
    %mul3A_18 = arith.muli %arg1, %mul3A_17 : i32
    %add3A_19 = arith.constant 512 : i32
    %add3A_20 = arith.addi %mul3A_18, %add3A_19 : i32
    "tpu.region"() ({
      %run_scoped3A = tpu.sem_alloc : memref<!tpu.dma_semaphore, #tpu.memory_space<semaphore_mem>>
      %dma_start3A = arith.constant 0 : i32
      %dma_start3A_47 = tpu.memref_slice %arg10[%add3A_20, %dma_start3A] : memref<10240x128xf32, #tpu.memory_space<vmem_shared>> -> memref<128x128xf32, #tpu.memory_space<vmem_shared>>
      %dma_start3A_48 = arith.constant 0 : i32
      %dma_start3A_49 = tpu.memref_slice %arg10[%add3A_20, %dma_start3A_48] : memref<10240x128xf32, #tpu.memory_space<vmem_shared>> -> memref<128x128xf32, #tpu.memory_space<vmem_shared>>
      tpu.enqueue_dma source(%arg9 : memref<128x128xf32, #tpu.memory_space<vmem>>) target(%dma_start3A_49 : memref<128x128xf32, #tpu.memory_space<vmem_shared>>) target_semaphore(%run_scoped3A : memref<!tpu.dma_semaphore, #tpu.memory_space<semaphore_mem>>)
      %dma_wait3A = arith.constant 0 : i32
      %dma_wait3A_50 = tpu.memref_slice %arg10[%add3A_20, %dma_wait3A] : memref<10240x128xf32, #tpu.memory_space<vmem_shared>> -> memref<128x128xf32, #tpu.memory_space<vmem_shared>>
      %dma_wait3A_51 = arith.constant 0 : i32
      %dma_wait3A_52 = tpu.memref_slice %arg10[%add3A_20, %dma_wait3A_51] : memref<10240x128xf32, #tpu.memory_space<vmem_shared>> -> memref<128x128xf32, #tpu.memory_space<vmem_shared>>
      tpu.wait_dma2 semaphore(%run_scoped3A : memref<!tpu.dma_semaphore, #tpu.memory_space<semaphore_mem>>) src(%arg9 : memref<128x128xf32, #tpu.memory_space<vmem>>) dst(%dma_wait3A_52 : memref<128x128xf32, #tpu.memory_space<vmem_shared>>)
      tpu.yield
    }) : () -> ()
    %barrier3A = arith.constant 0 : index
    tpu.barrier barrier_id(%barrier3A)
    "tpu.region"() ({
      %run_scoped3A = tpu.sem_alloc : memref<!tpu.dma_semaphore, #tpu.memory_space<semaphore_mem>>
      %dma_start3A = arith.constant 0 : i32
      %dma_start3A_47 = arith.constant 0 : i32
      %dma_start3A_48 = tpu.memref_slice %arg3[%add3A, %dma_start3A, %dma_start3A_47] : memref<32x79x128xi32, #tpu.memory_space<hbm>> -> memref<1x79x128xi32, #tpu.memory_space<hbm>>
      %dma_start3A_49 = tpu.memref_squeeze %dma_start3A_48 : memref<1x79x128xi32, #tpu.memory_space<hbm>> -> memref<79x128xi32, #tpu.memory_space<hbm>>
      %dma_start3A_50 = arith.constant 0 : i32
      %dma_start3A_51 = arith.constant 0 : i32
      %dma_start3A_52 = tpu.memref_slice %arg3[%add3A, %dma_start3A_50, %dma_start3A_51] : memref<32x79x128xi32, #tpu.memory_space<hbm>> -> memref<1x79x128xi32, #tpu.memory_space<hbm>>
      %dma_start3A_53 = tpu.memref_squeeze %dma_start3A_52 : memref<1x79x128xi32, #tpu.memory_space<hbm>> -> memref<79x128xi32, #tpu.memory_space<hbm>>
      tpu.enqueue_dma source(%dma_start3A_53 : memref<79x128xi32, #tpu.memory_space<hbm>>) target(%arg7 : memref<79x128xi32, #tpu.memory_space<vmem>>) target_semaphore(%run_scoped3A : memref<!tpu.dma_semaphore, #tpu.memory_space<semaphore_mem>>)
      %dma_wait3A = arith.constant 0 : i32
      %dma_wait3A_54 = arith.constant 0 : i32
      %dma_wait3A_55 = tpu.memref_slice %arg3[%add3A, %dma_wait3A, %dma_wait3A_54] : memref<32x79x128xi32, #tpu.memory_space<hbm>> -> memref<1x79x128xi32, #tpu.memory_space<hbm>>
      %dma_wait3A_56 = tpu.memref_squeeze %dma_wait3A_55 : memref<1x79x128xi32, #tpu.memory_space<hbm>> -> memref<79x128xi32, #tpu.memory_space<hbm>>
      %dma_wait3A_57 = arith.constant 0 : i32
      %dma_wait3A_58 = arith.constant 0 : i32
      %dma_wait3A_59 = tpu.memref_slice %arg3[%add3A, %dma_wait3A_57, %dma_wait3A_58] : memref<32x79x128xi32, #tpu.memory_space<hbm>> -> memref<1x79x128xi32, #tpu.memory_space<hbm>>
      %dma_wait3A_60 = tpu.memref_squeeze %dma_wait3A_59 : memref<1x79x128xi32, #tpu.memory_space<hbm>> -> memref<79x128xi32, #tpu.memory_space<hbm>>
      tpu.wait_dma2 semaphore(%run_scoped3A : memref<!tpu.dma_semaphore, #tpu.memory_space<semaphore_mem>>) src(%dma_wait3A_60 : memref<79x128xi32, #tpu.memory_space<hbm>>) dst(%arg7 : memref<79x128xi32, #tpu.memory_space<vmem>>)
      tpu.yield
    }) : () -> ()
    "tpu.region"() ({
      %run_scoped3A = tpu.sem_alloc : memref<!tpu.dma_semaphore, #tpu.memory_space<semaphore_mem>>
      %dma_start3A = arith.constant 0 : i32
      %dma_start3A_47 = arith.constant 0 : i32
      %dma_start3A_48 = tpu.memref_slice %arg4[%add3A, %dma_start3A, %dma_start3A_47] : memref<32x79x128xi32, #tpu.memory_space<hbm>> -> memref<1x79x128xi32, #tpu.memory_space<hbm>>
      %dma_start3A_49 = tpu.memref_squeeze %dma_start3A_48 : memref<1x79x128xi32, #tpu.memory_space<hbm>> -> memref<79x128xi32, #tpu.memory_space<hbm>>
      %dma_start3A_50 = arith.constant 0 : i32
      %dma_start3A_51 = arith.constant 0 : i32
      %dma_start3A_52 = tpu.memref_slice %arg4[%add3A, %dma_start3A_50, %dma_start3A_51] : memref<32x79x128xi32, #tpu.memory_space<hbm>> -> memref<1x79x128xi32, #tpu.memory_space<hbm>>
      %dma_start3A_53 = tpu.memref_squeeze %dma_start3A_52 : memref<1x79x128xi32, #tpu.memory_space<hbm>> -> memref<79x128xi32, #tpu.memory_space<hbm>>
      tpu.enqueue_dma source(%dma_start3A_53 : memref<79x128xi32, #tpu.memory_space<hbm>>) target(%arg8 : memref<79x128xi32, #tpu.memory_space<vmem>>) target_semaphore(%run_scoped3A : memref<!tpu.dma_semaphore, #tpu.memory_space<semaphore_mem>>)
      %dma_wait3A = arith.constant 0 : i32
      %dma_wait3A_54 = arith.constant 0 : i32
      %dma_wait3A_55 = tpu.memref_slice %arg4[%add3A, %dma_wait3A, %dma_wait3A_54] : memref<32x79x128xi32, #tpu.memory_space<hbm>> -> memref<1x79x128xi32, #tpu.memory_space<hbm>>
      %dma_wait3A_56 = tpu.memref_squeeze %dma_wait3A_55 : memref<1x79x128xi32, #tpu.memory_space<hbm>> -> memref<79x128xi32, #tpu.memory_space<hbm>>
      %dma_wait3A_57 = arith.constant 0 : i32
      %dma_wait3A_58 = arith.constant 0 : i32
      %dma_wait3A_59 = tpu.memref_slice %arg4[%add3A, %dma_wait3A_57, %dma_wait3A_58] : memref<32x79x128xi32, #tpu.memory_space<hbm>> -> memref<1x79x128xi32, #tpu.memory_space<hbm>>
      %dma_wait3A_60 = tpu.memref_squeeze %dma_wait3A_59 : memref<1x79x128xi32, #tpu.memory_space<hbm>> -> memref<79x128xi32, #tpu.memory_space<hbm>>
      tpu.wait_dma2 semaphore(%run_scoped3A : memref<!tpu.dma_semaphore, #tpu.memory_space<semaphore_mem>>) src(%dma_wait3A_60 : memref<79x128xi32, #tpu.memory_space<hbm>>) dst(%arg8 : memref<79x128xi32, #tpu.memory_space<vmem>>)
      tpu.yield
    }) : () -> ()
    %scan3A = arith.constant 0 : i32
    %scan3A_21 = arith.constant 0 : i32
    %scan3A_22 = arith.constant 79 : i32
    %scan3A_23 = arith.addi %scan3A_21, %scan3A_22 : i32
    %scan3A_24 = arith.constant 1 : i32
    scf.for %scan3A_47 = %scan3A_21 to %scan3A_23 step %scan3A_24  : i32 {
      %dma_start3A = arith.constant 0 : i32
      %dma_start3A_48 = tpu.memref_slice %arg7[%scan3A_47, %dma_start3A] : memref<79x128xi32, #tpu.memory_space<vmem>> -> memref<1x128xi32, #tpu.memory_space<vmem>>
      %dma_start3A_49 = tpu.memref_squeeze %dma_start3A_48 : memref<1x128xi32, #tpu.memory_space<vmem>> -> memref<128xi32, #tpu.memory_space<vmem>>
      %dma_start3A_50 = arith.constant 0 : i32
      %dma_start3A_51 = arith.constant 0 : i32
      %dma_start3A_52 = tpu.memref_slice %arg2[%dma_start3A_50, %dma_start3A_51] : memref<10000x128xf32, #tpu.memory_space<hbm>> -> memref<10000x128xf32, #tpu.memory_space<hbm>>
      tpu.enqueue_indirect_dma source(%dma_start3A_52 : memref<10000x128xf32, #tpu.memory_space<hbm>>) target(%arg9 : memref<128x128xf32, #tpu.memory_space<vmem>>) offsets(%dma_start3A_49 : memref<128xi32, #tpu.memory_space<vmem>>) semaphore(%arg11 : memref<!tpu.dma_semaphore, #tpu.memory_space<semaphore_mem>>)
      %dma_wait3A = arith.constant 0 : i32
      %dma_wait3A_53 = tpu.memref_slice %arg7[%scan3A_47, %dma_wait3A] : memref<79x128xi32, #tpu.memory_space<vmem>> -> memref<1x128xi32, #tpu.memory_space<vmem>>
      %dma_wait3A_54 = tpu.memref_squeeze %dma_wait3A_53 : memref<1x128xi32, #tpu.memory_space<vmem>> -> memref<128xi32, #tpu.memory_space<vmem>>
      %dma_wait3A_55 = arith.constant 0 : i32
      %dma_wait3A_56 = arith.constant 0 : i32
      %dma_wait3A_57 = tpu.memref_slice %arg2[%dma_wait3A_55, %dma_wait3A_56] : memref<10000x128xf32, #tpu.memory_space<hbm>> -> memref<10000x128xf32, #tpu.memory_space<hbm>>
      tpu.wait_indirect_dma semaphore(%arg11 : memref<!tpu.dma_semaphore, #tpu.memory_space<semaphore_mem>>) src(%dma_wait3A_57 : memref<10000x128xf32, #tpu.memory_space<hbm>>) dst(%arg9 : memref<128x128xf32, #tpu.memory_space<vmem>>)
      "tpu.region"() ({
        %run_scoped3A = tpu.sem_alloc : memref<!tpu.dma_semaphore, #tpu.memory_space<semaphore_mem>>
        %dma_start3A_58 = arith.constant 0 : i32
        %dma_start3A_59 = tpu.memref_slice %arg8[%scan3A_47, %dma_start3A_58] : memref<79x128xi32, #tpu.memory_space<vmem>> -> memref<1x128xi32, #tpu.memory_space<vmem>>
        %dma_start3A_60 = tpu.memref_squeeze %dma_start3A_59 : memref<1x128xi32, #tpu.memory_space<vmem>> -> memref<128xi32, #tpu.memory_space<vmem>>
        %dma_start3A_61 = arith.constant 0 : i32
        %dma_start3A_62 = arith.constant 0 : i32
        %dma_start3A_63 = tpu.memref_slice %arg10[%dma_start3A_61, %dma_start3A_62] : memref<10240x128xf32, #tpu.memory_space<vmem_shared>> -> memref<10240x128xf32, #tpu.memory_space<vmem_shared>>
        tpu.enqueue_indirect_dma source(%arg9 : memref<128x128xf32, #tpu.memory_space<vmem>>) target(%dma_start3A_63 : memref<10240x128xf32, #tpu.memory_space<vmem_shared>>) offsets(%dma_start3A_60 : memref<128xi32, #tpu.memory_space<vmem>>) semaphore(%run_scoped3A : memref<!tpu.dma_semaphore, #tpu.memory_space<semaphore_mem>>) {add = true}
        %dma_wait3A_64 = arith.constant 0 : i32
        %dma_wait3A_65 = tpu.memref_slice %arg8[%scan3A_47, %dma_wait3A_64] : memref<79x128xi32, #tpu.memory_space<vmem>> -> memref<1x128xi32, #tpu.memory_space<vmem>>
        %dma_wait3A_66 = tpu.memref_squeeze %dma_wait3A_65 : memref<1x128xi32, #tpu.memory_space<vmem>> -> memref<128xi32, #tpu.memory_space<vmem>>
        %dma_wait3A_67 = arith.constant 0 : i32
        %dma_wait3A_68 = arith.constant 0 : i32
        %dma_wait3A_69 = tpu.memref_slice %arg10[%dma_wait3A_67, %dma_wait3A_68] : memref<10240x128xf32, #tpu.memory_space<vmem_shared>> -> memref<10240x128xf32, #tpu.memory_space<vmem_shared>>
        tpu.wait_indirect_dma semaphore(%run_scoped3A : memref<!tpu.dma_semaphore, #tpu.memory_space<semaphore_mem>>) src(%arg9 : memref<128x128xf32, #tpu.memory_space<vmem>>) dst(%dma_wait3A_69 : memref<10240x128xf32, #tpu.memory_space<vmem_shared>>)
        tpu.yield
      }) : () -> ()
    }
    %scan3A_25 = arith.constant 79 : i32
    %barrier3A_26 = arith.constant 0 : index
    tpu.barrier barrier_id(%barrier3A_26)
    %mul3A_27 = arith.constant 640 : i32
    %mul3A_28 = arith.muli %arg1, %mul3A_27 : i32
    %add3A_29 = arith.constant 0 : i32
    %add3A_30 = arith.addi %mul3A_28, %add3A_29 : i32
    "tpu.region"() ({
      %run_scoped3A = tpu.sem_alloc : memref<!tpu.dma_semaphore, #tpu.memory_space<semaphore_mem>>
      %dma_start3A = arith.constant 0 : i32
      %dma_start3A_47 = tpu.memref_slice %arg10[%add3A_30, %dma_start3A] : memref<10240x128xf32, #tpu.memory_space<vmem_shared>> -> memref<128x128xf32, #tpu.memory_space<vmem_shared>>
      %dma_start3A_48 = arith.constant 0 : i32
      %dma_start3A_49 = tpu.memref_slice %arg10[%add3A_30, %dma_start3A_48] : memref<10240x128xf32, #tpu.memory_space<vmem_shared>> -> memref<128x128xf32, #tpu.memory_space<vmem_shared>>
      tpu.enqueue_dma source(%dma_start3A_49 : memref<128x128xf32, #tpu.memory_space<vmem_shared>>) target(%arg9 : memref<128x128xf32, #tpu.memory_space<vmem>>) target_semaphore(%run_scoped3A : memref<!tpu.dma_semaphore, #tpu.memory_space<semaphore_mem>>)
      %dma_wait3A = arith.constant 0 : i32
      %dma_wait3A_50 = tpu.memref_slice %arg10[%add3A_30, %dma_wait3A] : memref<10240x128xf32, #tpu.memory_space<vmem_shared>> -> memref<128x128xf32, #tpu.memory_space<vmem_shared>>
      %dma_wait3A_51 = arith.constant 0 : i32
      %dma_wait3A_52 = tpu.memref_slice %arg10[%add3A_30, %dma_wait3A_51] : memref<10240x128xf32, #tpu.memory_space<vmem_shared>> -> memref<128x128xf32, #tpu.memory_space<vmem_shared>>
      tpu.wait_dma2 semaphore(%run_scoped3A : memref<!tpu.dma_semaphore, #tpu.memory_space<semaphore_mem>>) src(%dma_wait3A_52 : memref<128x128xf32, #tpu.memory_space<vmem_shared>>) dst(%arg9 : memref<128x128xf32, #tpu.memory_space<vmem>>)
      tpu.yield
    }) : () -> ()
    "tpu.region"() ({
      %run_scoped3A = tpu.sem_alloc : memref<!tpu.dma_semaphore, #tpu.memory_space<semaphore_mem>>
      %dma_start3A = arith.constant 0 : i32
      %dma_start3A_47 = tpu.memref_slice %arg6[%arg0, %add3A_30, %dma_start3A] : memref<2x10240x128xf32, #tpu.memory_space<hbm>> -> memref<1x128x128xf32, #tpu.memory_space<hbm>>
      %dma_start3A_48 = tpu.memref_squeeze %dma_start3A_47 : memref<1x128x128xf32, #tpu.memory_space<hbm>> -> memref<128x128xf32, #tpu.memory_space<hbm>>
      %dma_start3A_49 = arith.constant 0 : i32
      %dma_start3A_50 = tpu.memref_slice %arg6[%arg0, %add3A_30, %dma_start3A_49] : memref<2x10240x128xf32, #tpu.memory_space<hbm>> -> memref<1x128x128xf32, #tpu.memory_space<hbm>>
      %dma_start3A_51 = tpu.memref_squeeze %dma_start3A_50 : memref<1x128x128xf32, #tpu.memory_space<hbm>> -> memref<128x128xf32, #tpu.memory_space<hbm>>
      tpu.enqueue_dma source(%arg9 : memref<128x128xf32, #tpu.memory_space<vmem>>) target(%dma_start3A_51 : memref<128x128xf32, #tpu.memory_space<hbm>>) target_semaphore(%run_scoped3A : memref<!tpu.dma_semaphore, #tpu.memory_space<semaphore_mem>>)
      %dma_wait3A = arith.constant 0 : i32
      %dma_wait3A_52 = tpu.memref_slice %arg6[%arg0, %add3A_30, %dma_wait3A] : memref<2x10240x128xf32, #tpu.memory_space<hbm>> -> memref<1x128x128xf32, #tpu.memory_space<hbm>>
      %dma_wait3A_53 = tpu.memref_squeeze %dma_wait3A_52 : memref<1x128x128xf32, #tpu.memory_space<hbm>> -> memref<128x128xf32, #tpu.memory_space<hbm>>
      %dma_wait3A_54 = arith.constant 0 : i32
      %dma_wait3A_55 = tpu.memref_slice %arg6[%arg0, %add3A_30, %dma_wait3A_54] : memref<2x10240x128xf32, #tpu.memory_space<hbm>> -> memref<1x128x128xf32, #tpu.memory_space<hbm>>
      %dma_wait3A_56 = tpu.memref_squeeze %dma_wait3A_55 : memref<1x128x128xf32, #tpu.memory_space<hbm>> -> memref<128x128xf32, #tpu.memory_space<hbm>>
      tpu.wait_dma2 semaphore(%run_scoped3A : memref<!tpu.dma_semaphore, #tpu.memory_space<semaphore_mem>>) src(%arg9 : memref<128x128xf32, #tpu.memory_space<vmem>>) dst(%dma_wait3A_56 : memref<128x128xf32, #tpu.memory_space<hbm>>)
      tpu.yield
    }) : () -> ()
    %mul3A_31 = arith.constant 640 : i32
    %mul3A_32 = arith.muli %arg1, %mul3A_31 : i32
    %add3A_33 = arith.constant 128 : i32
    %add3A_34 = arith.addi %mul3A_32, %add3A_33 : i32
    "tpu.region"() ({
      %run_scoped3A = tpu.sem_alloc : memref<!tpu.dma_semaphore, #tpu.memory_space<semaphore_mem>>
      %dma_start3A = arith.constant 0 : i32
      %dma_start3A_47 = tpu.memref_slice %arg10[%add3A_34, %dma_start3A] : memref<10240x128xf32, #tpu.memory_space<vmem_shared>> -> memref<128x128xf32, #tpu.memory_space<vmem_shared>>
      %dma_start3A_48 = arith.constant 0 : i32
      %dma_start3A_49 = tpu.memref_slice %arg10[%add3A_34, %dma_start3A_48] : memref<10240x128xf32, #tpu.memory_space<vmem_shared>> -> memref<128x128xf32, #tpu.memory_space<vmem_shared>>
      tpu.enqueue_dma source(%dma_start3A_49 : memref<128x128xf32, #tpu.memory_space<vmem_shared>>) target(%arg9 : memref<128x128xf32, #tpu.memory_space<vmem>>) target_semaphore(%run_scoped3A : memref<!tpu.dma_semaphore, #tpu.memory_space<semaphore_mem>>)
      %dma_wait3A = arith.constant 0 : i32
      %dma_wait3A_50 = tpu.memref_slice %arg10[%add3A_34, %dma_wait3A] : memref<10240x128xf32, #tpu.memory_space<vmem_shared>> -> memref<128x128xf32, #tpu.memory_space<vmem_shared>>
      %dma_wait3A_51 = arith.constant 0 : i32
      %dma_wait3A_52 = tpu.memref_slice %arg10[%add3A_34, %dma_wait3A_51] : memref<10240x128xf32, #tpu.memory_space<vmem_shared>> -> memref<128x128xf32, #tpu.memory_space<vmem_shared>>
      tpu.wait_dma2 semaphore(%run_scoped3A : memref<!tpu.dma_semaphore, #tpu.memory_space<semaphore_mem>>) src(%dma_wait3A_52 : memref<128x128xf32, #tpu.memory_space<vmem_shared>>) dst(%arg9 : memref<128x128xf32, #tpu.memory_space<vmem>>)
      tpu.yield
    }) : () -> ()
    "tpu.region"() ({
      %run_scoped3A = tpu.sem_alloc : memref<!tpu.dma_semaphore, #tpu.memory_space<semaphore_mem>>
      %dma_start3A = arith.constant 0 : i32
      %dma_start3A_47 = tpu.memref_slice %arg6[%arg0, %add3A_34, %dma_start3A] : memref<2x10240x128xf32, #tpu.memory_space<hbm>> -> memref<1x128x128xf32, #tpu.memory_space<hbm>>
      %dma_start3A_48 = tpu.memref_squeeze %dma_start3A_47 : memref<1x128x128xf32, #tpu.memory_space<hbm>> -> memref<128x128xf32, #tpu.memory_space<hbm>>
      %dma_start3A_49 = arith.constant 0 : i32
      %dma_start3A_50 = tpu.memref_slice %arg6[%arg0, %add3A_34, %dma_start3A_49] : memref<2x10240x128xf32, #tpu.memory_space<hbm>> -> memref<1x128x128xf32, #tpu.memory_space<hbm>>
      %dma_start3A_51 = tpu.memref_squeeze %dma_start3A_50 : memref<1x128x128xf32, #tpu.memory_space<hbm>> -> memref<128x128xf32, #tpu.memory_space<hbm>>
      tpu.enqueue_dma source(%arg9 : memref<128x128xf32, #tpu.memory_space<vmem>>) target(%dma_start3A_51 : memref<128x128xf32, #tpu.memory_space<hbm>>) target_semaphore(%run_scoped3A : memref<!tpu.dma_semaphore, #tpu.memory_space<semaphore_mem>>)
      %dma_wait3A = arith.constant 0 : i32
      %dma_wait3A_52 = tpu.memref_slice %arg6[%arg0, %add3A_34, %dma_wait3A] : memref<2x10240x128xf32, #tpu.memory_space<hbm>> -> memref<1x128x128xf32, #tpu.memory_space<hbm>>
      %dma_wait3A_53 = tpu.memref_squeeze %dma_wait3A_52 : memref<1x128x128xf32, #tpu.memory_space<hbm>> -> memref<128x128xf32, #tpu.memory_space<hbm>>
      %dma_wait3A_54 = arith.constant 0 : i32
      %dma_wait3A_55 = tpu.memref_slice %arg6[%arg0, %add3A_34, %dma_wait3A_54] : memref<2x10240x128xf32, #tpu.memory_space<hbm>> -> memref<1x128x128xf32, #tpu.memory_space<hbm>>
      %dma_wait3A_56 = tpu.memref_squeeze %dma_wait3A_55 : memref<1x128x128xf32, #tpu.memory_space<hbm>> -> memref<128x128xf32, #tpu.memory_space<hbm>>
      tpu.wait_dma2 semaphore(%run_scoped3A : memref<!tpu.dma_semaphore, #tpu.memory_space<semaphore_mem>>) src(%arg9 : memref<128x128xf32, #tpu.memory_space<vmem>>) dst(%dma_wait3A_56 : memref<128x128xf32, #tpu.memory_space<hbm>>)
      tpu.yield
    }) : () -> ()
    %mul3A_35 = arith.constant 640 : i32
    %mul3A_36 = arith.muli %arg1, %mul3A_35 : i32
    %add3A_37 = arith.constant 256 : i32
    %add3A_38 = arith.addi %mul3A_36, %add3A_37 : i32
    "tpu.region"() ({
      %run_scoped3A = tpu.sem_alloc : memref<!tpu.dma_semaphore, #tpu.memory_space<semaphore_mem>>
      %dma_start3A = arith.constant 0 : i32
      %dma_start3A_47 = tpu.memref_slice %arg10[%add3A_38, %dma_start3A] : memref<10240x128xf32, #tpu.memory_space<vmem_shared>> -> memref<128x128xf32, #tpu.memory_space<vmem_shared>>
      %dma_start3A_48 = arith.constant 0 : i32
      %dma_start3A_49 = tpu.memref_slice %arg10[%add3A_38, %dma_start3A_48] : memref<10240x128xf32, #tpu.memory_space<vmem_shared>> -> memref<128x128xf32, #tpu.memory_space<vmem_shared>>
      tpu.enqueue_dma source(%dma_start3A_49 : memref<128x128xf32, #tpu.memory_space<vmem_shared>>) target(%arg9 : memref<128x128xf32, #tpu.memory_space<vmem>>) target_semaphore(%run_scoped3A : memref<!tpu.dma_semaphore, #tpu.memory_space<semaphore_mem>>)
      %dma_wait3A = arith.constant 0 : i32
      %dma_wait3A_50 = tpu.memref_slice %arg10[%add3A_38, %dma_wait3A] : memref<10240x128xf32, #tpu.memory_space<vmem_shared>> -> memref<128x128xf32, #tpu.memory_space<vmem_shared>>
      %dma_wait3A_51 = arith.constant 0 : i32
      %dma_wait3A_52 = tpu.memref_slice %arg10[%add3A_38, %dma_wait3A_51] : memref<10240x128xf32, #tpu.memory_space<vmem_shared>> -> memref<128x128xf32, #tpu.memory_space<vmem_shared>>
      tpu.wait_dma2 semaphore(%run_scoped3A : memref<!tpu.dma_semaphore, #tpu.memory_space<semaphore_mem>>) src(%dma_wait3A_52 : memref<128x128xf32, #tpu.memory_space<vmem_shared>>) dst(%arg9 : memref<128x128xf32, #tpu.memory_space<vmem>>)
      tpu.yield
    }) : () -> ()
    "tpu.region"() ({
      %run_scoped3A = tpu.sem_alloc : memref<!tpu.dma_semaphore, #tpu.memory_space<semaphore_mem>>
      %dma_start3A = arith.constant 0 : i32
      %dma_start3A_47 = tpu.memref_slice %arg6[%arg0, %add3A_38, %dma_start3A] : memref<2x10240x128xf32, #tpu.memory_space<hbm>> -> memref<1x128x128xf32, #tpu.memory_space<hbm>>
      %dma_start3A_48 = tpu.memref_squeeze %dma_start3A_47 : memref<1x128x128xf32, #tpu.memory_space<hbm>> -> memref<128x128xf32, #tpu.memory_space<hbm>>
      %dma_start3A_49 = arith.constant 0 : i32
      %dma_start3A_50 = tpu.memref_slice %arg6[%arg0, %add3A_38, %dma_start3A_49] : memref<2x10240x128xf32, #tpu.memory_space<hbm>> -> memref<1x128x128xf32, #tpu.memory_space<hbm>>
      %dma_start3A_51 = tpu.memref_squeeze %dma_start3A_50 : memref<1x128x128xf32, #tpu.memory_space<hbm>> -> memref<128x128xf32, #tpu.memory_space<hbm>>
      tpu.enqueue_dma source(%arg9 : memref<128x128xf32, #tpu.memory_space<vmem>>) target(%dma_start3A_51 : memref<128x128xf32, #tpu.memory_space<hbm>>) target_semaphore(%run_scoped3A : memref<!tpu.dma_semaphore, #tpu.memory_space<semaphore_mem>>)
      %dma_wait3A = arith.constant 0 : i32
      %dma_wait3A_52 = tpu.memref_slice %arg6[%arg0, %add3A_38, %dma_wait3A] : memref<2x10240x128xf32, #tpu.memory_space<hbm>> -> memref<1x128x128xf32, #tpu.memory_space<hbm>>
      %dma_wait3A_53 = tpu.memref_squeeze %dma_wait3A_52 : memref<1x128x128xf32, #tpu.memory_space<hbm>> -> memref<128x128xf32, #tpu.memory_space<hbm>>
      %dma_wait3A_54 = arith.constant 0 : i32
      %dma_wait3A_55 = tpu.memref_slice %arg6[%arg0, %add3A_38, %dma_wait3A_54] : memref<2x10240x128xf32, #tpu.memory_space<hbm>> -> memref<1x128x128xf32, #tpu.memory_space<hbm>>
      %dma_wait3A_56 = tpu.memref_squeeze %dma_wait3A_55 : memref<1x128x128xf32, #tpu.memory_space<hbm>> -> memref<128x128xf32, #tpu.memory_space<hbm>>
      tpu.wait_dma2 semaphore(%run_scoped3A : memref<!tpu.dma_semaphore, #tpu.memory_space<semaphore_mem>>) src(%arg9 : memref<128x128xf32, #tpu.memory_space<vmem>>) dst(%dma_wait3A_56 : memref<128x128xf32, #tpu.memory_space<hbm>>)
      tpu.yield
    }) : () -> ()
    %mul3A_39 = arith.constant 640 : i32
    %mul3A_40 = arith.muli %arg1, %mul3A_39 : i32
    %add3A_41 = arith.constant 384 : i32
    %add3A_42 = arith.addi %mul3A_40, %add3A_41 : i32
    "tpu.region"() ({
      %run_scoped3A = tpu.sem_alloc : memref<!tpu.dma_semaphore, #tpu.memory_space<semaphore_mem>>
      %dma_start3A = arith.constant 0 : i32
      %dma_start3A_47 = tpu.memref_slice %arg10[%add3A_42, %dma_start3A] : memref<10240x128xf32, #tpu.memory_space<vmem_shared>> -> memref<128x128xf32, #tpu.memory_space<vmem_shared>>
      %dma_start3A_48 = arith.constant 0 : i32
      %dma_start3A_49 = tpu.memref_slice %arg10[%add3A_42, %dma_start3A_48] : memref<10240x128xf32, #tpu.memory_space<vmem_shared>> -> memref<128x128xf32, #tpu.memory_space<vmem_shared>>
      tpu.enqueue_dma source(%dma_start3A_49 : memref<128x128xf32, #tpu.memory_space<vmem_shared>>) target(%arg9 : memref<128x128xf32, #tpu.memory_space<vmem>>) target_semaphore(%run_scoped3A : memref<!tpu.dma_semaphore, #tpu.memory_space<semaphore_mem>>)
      %dma_wait3A = arith.constant 0 : i32
      %dma_wait3A_50 = tpu.memref_slice %arg10[%add3A_42, %dma_wait3A] : memref<10240x128xf32, #tpu.memory_space<vmem_shared>> -> memref<128x128xf32, #tpu.memory_space<vmem_shared>>
      %dma_wait3A_51 = arith.constant 0 : i32
      %dma_wait3A_52 = tpu.memref_slice %arg10[%add3A_42, %dma_wait3A_51] : memref<10240x128xf32, #tpu.memory_space<vmem_shared>> -> memref<128x128xf32, #tpu.memory_space<vmem_shared>>
      tpu.wait_dma2 semaphore(%run_scoped3A : memref<!tpu.dma_semaphore, #tpu.memory_space<semaphore_mem>>) src(%dma_wait3A_52 : memref<128x128xf32, #tpu.memory_space<vmem_shared>>) dst(%arg9 : memref<128x128xf32, #tpu.memory_space<vmem>>)
      tpu.yield
    }) : () -> ()
    "tpu.region"() ({
      %run_scoped3A = tpu.sem_alloc : memref<!tpu.dma_semaphore, #tpu.memory_space<semaphore_mem>>
      %dma_start3A = arith.constant 0 : i32
      %dma_start3A_47 = tpu.memref_slice %arg6[%arg0, %add3A_42, %dma_start3A] : memref<2x10240x128xf32, #tpu.memory_space<hbm>> -> memref<1x128x128xf32, #tpu.memory_space<hbm>>
      %dma_start3A_48 = tpu.memref_squeeze %dma_start3A_47 : memref<1x128x128xf32, #tpu.memory_space<hbm>> -> memref<128x128xf32, #tpu.memory_space<hbm>>
      %dma_start3A_49 = arith.constant 0 : i32
      %dma_start3A_50 = tpu.memref_slice %arg6[%arg0, %add3A_42, %dma_start3A_49] : memref<2x10240x128xf32, #tpu.memory_space<hbm>> -> memref<1x128x128xf32, #tpu.memory_space<hbm>>
      %dma_start3A_51 = tpu.memref_squeeze %dma_start3A_50 : memref<1x128x128xf32, #tpu.memory_space<hbm>> -> memref<128x128xf32, #tpu.memory_space<hbm>>
      tpu.enqueue_dma source(%arg9 : memref<128x128xf32, #tpu.memory_space<vmem>>) target(%dma_start3A_51 : memref<128x128xf32, #tpu.memory_space<hbm>>) target_semaphore(%run_scoped3A : memref<!tpu.dma_semaphore, #tpu.memory_space<semaphore_mem>>)
      %dma_wait3A = arith.constant 0 : i32
      %dma_wait3A_52 = tpu.memref_slice %arg6[%arg0, %add3A_42, %dma_wait3A] : memref<2x10240x128xf32, #tpu.memory_space<hbm>> -> memref<1x128x128xf32, #tpu.memory_space<hbm>>
      %dma_wait3A_53 = tpu.memref_squeeze %dma_wait3A_52 : memref<1x128x128xf32, #tpu.memory_space<hbm>> -> memref<128x128xf32, #tpu.memory_space<hbm>>
      %dma_wait3A_54 = arith.constant 0 : i32
      %dma_wait3A_55 = tpu.memref_slice %arg6[%arg0, %add3A_42, %dma_wait3A_54] : memref<2x10240x128xf32, #tpu.memory_space<hbm>> -> memref<1x128x128xf32, #tpu.memory_space<hbm>>
      %dma_wait3A_56 = tpu.memref_squeeze %dma_wait3A_55 : memref<1x128x128xf32, #tpu.memory_space<hbm>> -> memref<128x128xf32, #tpu.memory_space<hbm>>
      tpu.wait_dma2 semaphore(%run_scoped3A : memref<!tpu.dma_semaphore, #tpu.memory_space<semaphore_mem>>) src(%arg9 : memref<128x128xf32, #tpu.memory_space<vmem>>) dst(%dma_wait3A_56 : memref<128x128xf32, #tpu.memory_space<hbm>>)
      tpu.yield
    }) : () -> ()
    %mul3A_43 = arith.constant 640 : i32
    %mul3A_44 = arith.muli %arg1, %mul3A_43 : i32
    %add3A_45 = arith.constant 512 : i32
    %add3A_46 = arith.addi %mul3A_44, %add3A_45 : i32
    "tpu.region"() ({
      %run_scoped3A = tpu.sem_alloc : memref<!tpu.dma_semaphore, #tpu.memory_space<semaphore_mem>>
      %dma_start3A = arith.constant 0 : i32
      %dma_start3A_47 = tpu.memref_slice %arg10[%add3A_46, %dma_start3A] : memref<10240x128xf32, #tpu.memory_space<vmem_shared>> -> memref<128x128xf32, #tpu.memory_space<vmem_shared>>
      %dma_start3A_48 = arith.constant 0 : i32
      %dma_start3A_49 = tpu.memref_slice %arg10[%add3A_46, %dma_start3A_48] : memref<10240x128xf32, #tpu.memory_space<vmem_shared>> -> memref<128x128xf32, #tpu.memory_space<vmem_shared>>
      tpu.enqueue_dma source(%dma_start3A_49 : memref<128x128xf32, #tpu.memory_space<vmem_shared>>) target(%arg9 : memref<128x128xf32, #tpu.memory_space<vmem>>) target_semaphore(%run_scoped3A : memref<!tpu.dma_semaphore, #tpu.memory_space<semaphore_mem>>)
      %dma_wait3A = arith.constant 0 : i32
      %dma_wait3A_50 = tpu.memref_slice %arg10[%add3A_46, %dma_wait3A] : memref<10240x128xf32, #tpu.memory_space<vmem_shared>> -> memref<128x128xf32, #tpu.memory_space<vmem_shared>>
      %dma_wait3A_51 = arith.constant 0 : i32
      %dma_wait3A_52 = tpu.memref_slice %arg10[%add3A_46, %dma_wait3A_51] : memref<10240x128xf32, #tpu.memory_space<vmem_shared>> -> memref<128x128xf32, #tpu.memory_space<vmem_shared>>
      tpu.wait_dma2 semaphore(%run_scoped3A : memref<!tpu.dma_semaphore, #tpu.memory_space<semaphore_mem>>) src(%dma_wait3A_52 : memref<128x128xf32, #tpu.memory_space<vmem_shared>>) dst(%arg9 : memref<128x128xf32, #tpu.memory_space<vmem>>)
      tpu.yield
    }) : () -> ()
    "tpu.region"() ({
      %run_scoped3A = tpu.sem_alloc : memref<!tpu.dma_semaphore, #tpu.memory_space<semaphore_mem>>
      %dma_start3A = arith.constant 0 : i32
      %dma_start3A_47 = tpu.memref_slice %arg6[%arg0, %add3A_46, %dma_start3A] : memref<2x10240x128xf32, #tpu.memory_space<hbm>> -> memref<1x128x128xf32, #tpu.memory_space<hbm>>
      %dma_start3A_48 = tpu.memref_squeeze %dma_start3A_47 : memref<1x128x128xf32, #tpu.memory_space<hbm>> -> memref<128x128xf32, #tpu.memory_space<hbm>>
      %dma_start3A_49 = arith.constant 0 : i32
      %dma_start3A_50 = tpu.memref_slice %arg6[%arg0, %add3A_46, %dma_start3A_49] : memref<2x10240x128xf32, #tpu.memory_space<hbm>> -> memref<1x128x128xf32, #tpu.memory_space<hbm>>
      %dma_start3A_51 = tpu.memref_squeeze %dma_start3A_50 : memref<1x128x128xf32, #tpu.memory_space<hbm>> -> memref<128x128xf32, #tpu.memory_space<hbm>>
      tpu.enqueue_dma source(%arg9 : memref<128x128xf32, #tpu.memory_space<vmem>>) target(%dma_start3A_51 : memref<128x128xf32, #tpu.memory_space<hbm>>) target_semaphore(%run_scoped3A : memref<!tpu.dma_semaphore, #tpu.memory_space<semaphore_mem>>)
      %dma_wait3A = arith.constant 0 : i32
      %dma_wait3A_52 = tpu.memref_slice %arg6[%arg0, %add3A_46, %dma_wait3A] : memref<2x10240x128xf32, #tpu.memory_space<hbm>> -> memref<1x128x128xf32, #tpu.memory_space<hbm>>
      %dma_wait3A_53 = tpu.memref_squeeze %dma_wait3A_52 : memref<1x128x128xf32, #tpu.memory_space<hbm>> -> memref<128x128xf32, #tpu.memory_space<hbm>>
      %dma_wait3A_54 = arith.constant 0 : i32
      %dma_wait3A_55 = tpu.memref_slice %arg6[%arg0, %add3A_46, %dma_wait3A_54] : memref<2x10240x128xf32, #tpu.memory_space<hbm>> -> memref<1x128x128xf32, #tpu.memory_space<hbm>>
      %dma_wait3A_56 = tpu.memref_squeeze %dma_wait3A_55 : memref<1x128x128xf32, #tpu.memory_space<hbm>> -> memref<128x128xf32, #tpu.memory_space<hbm>>
      tpu.wait_dma2 semaphore(%run_scoped3A : memref<!tpu.dma_semaphore, #tpu.memory_space<semaphore_mem>>) src(%arg9 : memref<128x128xf32, #tpu.memory_space<vmem>>) dst(%dma_wait3A_56 : memref<128x128xf32, #tpu.memory_space<hbm>>)
      tpu.yield
    }) : () -> ()
    return
  }
}

module attributes {stable_mosaic.version = 14 : i64} {
  func.func @_stage1_body(%arg0: memref<10000x128xf32, #tpu.memory_space<vmem>>, %arg1: memref<128x128xf32, #tpu.memory_space<vmem>>, %arg2: memref<2x10240xf32, #tpu.memory_space<vmem>>, %arg3: memref<10000x128xf32, #tpu.memory_space<vmem>>, %arg4: memref<10000x1xf32, #tpu.memory_space<vmem>>) attributes {dimension_semantics = [], scalar_prefetch = 0 : i64, scratch_operands = 0 : i64, tpu.core_type = #tpu.core_type<tc>} {
    %get3A = arith.constant 0 : index
    %get3A_0 = arith.constant 0 : index
    %get3A_1 = vector.load %arg2[%get3A, %get3A_0] : memref<2x10240xf32, #tpu.memory_space<vmem>>, vector<2x10240xf32>
    %reduce_sum3A = arith.constant dense<0.000000e+00> : vector<10240xf32>
    %reduce_sum3A_2 = vector.multi_reduction <add>, %get3A_1, %reduce_sum3A [0] : vector<2x10240xf32> to vector<10240xf32>
    %slice3A = vector.extract_strided_slice %reduce_sum3A_2 {offsets = [0], sizes = [10000], strides = [1]} : vector<10240xf32> to vector<10000xf32>
    %add3A = arith.constant 1.000000e+00 : f32
    %add3A_3 = vector.broadcast %add3A : f32 to vector<10000xf32>
    %add3A_4 = arith.addf %slice3A, %add3A_3 : vector<10000xf32>
    %rsqrt3A = math.rsqrt %add3A_4 : vector<10000xf32>
    %broadcast_in_dim3A = vector.shape_cast %rsqrt3A : vector<10000xf32> to vector<10000x1xf32>
    %swap3A = arith.constant 0 : index
    %swap3A_5 = arith.constant 0 : index
    %swap3A_6 = vector.load %arg4[%swap3A, %swap3A_5] : memref<10000x1xf32, #tpu.memory_space<vmem>>, vector<10000x1xf32>
    tpu.vector_store %arg4[%swap3A, %swap3A_5], %broadcast_in_dim3A {strides = array<i32>} : memref<10000x1xf32, #tpu.memory_space<vmem>>, vector<10000x1xf32>,
    %get3A_7 = arith.constant 0 : index
    %get3A_8 = arith.constant 0 : index
    %get3A_9 = vector.load %arg0[%get3A_7, %get3A_8] : memref<10000x128xf32, #tpu.memory_space<vmem>>, vector<10000x128xf32>
    %get3A_10 = arith.constant 0 : index
    %get3A_11 = arith.constant 0 : index
    %get3A_12 = vector.load %arg1[%get3A_10, %get3A_11] : memref<128x128xf32, #tpu.memory_space<vmem>>, vector<128x128xf32>
    %dot_general3A = arith.constant dense<0.000000e+00> : vector<10000x128xf32>
    %dot_general3A_13 = tpu.matmul %get3A_9, %get3A_12, %dot_general3A {dimension_numbers = #tpu.dot_dimension_numbers<[1], [0], [0], [1], [0, 0, 1, 1], [], []>, transpose_lhs_hint = false} : vector<10000x128xf32>, vector<128x128xf32>, vector<10000x128xf32> -> vector<10000x128xf32>
    %mul3A = vector.broadcast %broadcast_in_dim3A : vector<10000x1xf32> to vector<10000x128xf32>
    %mul3A_14 = arith.mulf %dot_general3A_13, %mul3A : vector<10000x128xf32>
    %swap3A_15 = arith.constant 0 : index
    %swap3A_16 = arith.constant 0 : index
    %swap3A_17 = vector.load %arg3[%swap3A_15, %swap3A_16] : memref<10000x128xf32, #tpu.memory_space<vmem>>, vector<10000x128xf32>
    tpu.vector_store %arg3[%swap3A_15, %swap3A_16], %mul3A_14 {strides = array<i32>} : memref<10000x128xf32, #tpu.memory_space<vmem>>, vector<10000x128xf32>,
    return
  }
}

module attributes {stable_mosaic.version = 14 : i64} {
  func.func @_stage3_body(%arg0: memref<2x10240x128xf32, #tpu.memory_space<vmem>>, %arg1: memref<10000x128xf32, #tpu.memory_space<vmem>>, %arg2: memref<10000x1xf32, #tpu.memory_space<vmem>>, %arg3: memref<128xf32, #tpu.memory_space<vmem>>, %arg4: memref<10000x128xf32, #tpu.memory_space<vmem>>) attributes {dimension_semantics = [], scalar_prefetch = 0 : i64, scratch_operands = 0 : i64, tpu.core_type = #tpu.core_type<tc>} {
    %get3A = arith.constant 0 : index
    %get3A_0 = arith.constant 0 : index
    %get3A_1 = arith.constant 0 : index
    %get3A_2 = vector.load %arg0[%get3A, %get3A_0, %get3A_1] : memref<2x10240x128xf32, #tpu.memory_space<vmem>>, vector<2x10240x128xf32>
    %slice3A = vector.extract_strided_slice %get3A_2 {offsets = [0, 0, 0], sizes = [1, 10000, 128], strides = [1, 1, 1]} : vector<2x10240x128xf32> to vector<1x10000x128xf32>
    %squeeze3A = vector.shape_cast %slice3A : vector<1x10000x128xf32> to vector<10000x128xf32>
    %slice3A_3 = vector.extract_strided_slice %get3A_2 {offsets = [1, 0, 0], sizes = [1, 10000, 128], strides = [1, 1, 1]} : vector<2x10240x128xf32> to vector<1x10000x128xf32>
    %squeeze3A_4 = vector.shape_cast %slice3A_3 : vector<1x10000x128xf32> to vector<10000x128xf32>
    %add3A = arith.addf %squeeze3A, %squeeze3A_4 : vector<10000x128xf32>
    %get3A_5 = arith.constant 0 : index
    %get3A_6 = arith.constant 0 : index
    %get3A_7 = vector.load %arg1[%get3A_5, %get3A_6] : memref<10000x128xf32, #tpu.memory_space<vmem>>, vector<10000x128xf32>
    %add3A_8 = arith.addf %add3A, %get3A_7 : vector<10000x128xf32>
    %get3A_9 = arith.constant 0 : index
    %get3A_10 = arith.constant 0 : index
    %get3A_11 = vector.load %arg2[%get3A_9, %get3A_10] : memref<10000x1xf32, #tpu.memory_space<vmem>>, vector<10000x1xf32>
    %mul3A = vector.broadcast %get3A_11 : vector<10000x1xf32> to vector<10000x128xf32>
    %mul3A_12 = arith.mulf %add3A_8, %mul3A : vector<10000x128xf32>
    %get3A_13 = arith.constant 0 : index
    %get3A_14 = vector.load %arg3[%get3A_13] : memref<128xf32, #tpu.memory_space<vmem>>, vector<128xf32>
    %broadcast_in_dim3A = vector.shape_cast %get3A_14 : vector<128xf32> to vector<1x128xf32>
    %add3A_15 = vector.broadcast %broadcast_in_dim3A : vector<1x128xf32> to vector<10000x128xf32>
    %add3A_16 = arith.addf %mul3A_12, %add3A_15 : vector<10000x128xf32>
    %mul3A_17 = arith.constant 2.000000e+00 : f32
    %mul3A_18 = vector.broadcast %mul3A_17 : f32 to vector<10000x128xf32>
    %mul3A_19 = arith.mulf %mul3A_18, %add3A_16 : vector<10000x128xf32>
    %reduce_max3A = arith.constant dense<0xFF800000> : vector<10000xf32>
    %reduce_max3A_20 = vector.multi_reduction <maximumf>, %mul3A_19, %reduce_max3A [1] : vector<10000x128xf32> to vector<10000xf32>
    %broadcast_in_dim3A_21 = vector.shape_cast %reduce_max3A_20 : vector<10000xf32> to vector<10000x1xf32>
    %sub3A = vector.broadcast %broadcast_in_dim3A_21 : vector<10000x1xf32> to vector<10000x128xf32>
    %sub3A_22 = arith.subf %mul3A_19, %sub3A : vector<10000x128xf32>
    %exp3A = math.exp %sub3A_22 : vector<10000x128xf32>
    %reduce_sum3A = arith.constant dense<0.000000e+00> : vector<10000xf32>
    %reduce_sum3A_23 = vector.multi_reduction <add>, %exp3A, %reduce_sum3A [1] : vector<10000x128xf32> to vector<10000xf32>
    %broadcast_in_dim3A_24 = vector.shape_cast %reduce_sum3A_23 : vector<10000xf32> to vector<10000x1xf32>
    %log3A = math.log %broadcast_in_dim3A_24 : vector<10000x1xf32>
    %add3A_25 = arith.addf %log3A, %broadcast_in_dim3A_21 : vector<10000x1xf32>
    %sub3A_26 = vector.broadcast %add3A_25 : vector<10000x1xf32> to vector<10000x128xf32>
    %sub3A_27 = arith.subf %mul3A_19, %sub3A_26 : vector<10000x128xf32>
    %swap3A = arith.constant 0 : index
    %swap3A_28 = arith.constant 0 : index
    %swap3A_29 = vector.load %arg4[%swap3A, %swap3A_28] : memref<10000x128xf32, #tpu.memory_space<vmem>>, vector<10000x128xf32>
    tpu.vector_store %arg4[%swap3A, %swap3A_28], %sub3A_27 {strides = array<i32>} : memref<10000x128xf32, #tpu.memory_space<vmem>>, vector<10000x128xf32>,
    return
  }
}

module attributes {stable_mosaic.version = 14 : i64} {
  func.func @_stage2_body(%arg0: memref<2x10240x128xf32, #tpu.memory_space<vmem>>, %arg1: memref<10000x128xf32, #tpu.memory_space<vmem>>, %arg2: memref<10000x1xf32, #tpu.memory_space<vmem>>, %arg3: memref<128xf32, #tpu.memory_space<vmem>>, %arg4: memref<128x128xf32, #tpu.memory_space<vmem>>, %arg5: memref<10000x128xf32, #tpu.memory_space<vmem>>) attributes {dimension_semantics = [], scalar_prefetch = 0 : i64, scratch_operands = 0 : i64, tpu.core_type = #tpu.core_type<tc>} {
    %get3A = arith.constant 0 : index
    %get3A_0 = arith.constant 0 : index
    %get3A_1 = arith.constant 0 : index
    %get3A_2 = vector.load %arg0[%get3A, %get3A_0, %get3A_1] : memref<2x10240x128xf32, #tpu.memory_space<vmem>>, vector<2x10240x128xf32>
    %slice3A = vector.extract_strided_slice %get3A_2 {offsets = [0, 0, 0], sizes = [1, 10000, 128], strides = [1, 1, 1]} : vector<2x10240x128xf32> to vector<1x10000x128xf32>
    %squeeze3A = vector.shape_cast %slice3A : vector<1x10000x128xf32> to vector<10000x128xf32>
    %slice3A_3 = vector.extract_strided_slice %get3A_2 {offsets = [1, 0, 0], sizes = [1, 10000, 128], strides = [1, 1, 1]} : vector<2x10240x128xf32> to vector<1x10000x128xf32>
    %squeeze3A_4 = vector.shape_cast %slice3A_3 : vector<1x10000x128xf32> to vector<10000x128xf32>
    %add3A = arith.addf %squeeze3A, %squeeze3A_4 : vector<10000x128xf32>
    %get3A_5 = arith.constant 0 : index
    %get3A_6 = arith.constant 0 : index
    %get3A_7 = vector.load %arg2[%get3A_5, %get3A_6] : memref<10000x1xf32, #tpu.memory_space<vmem>>, vector<10000x1xf32>
    %get3A_8 = arith.constant 0 : index
    %get3A_9 = arith.constant 0 : index
    %get3A_10 = vector.load %arg1[%get3A_8, %get3A_9] : memref<10000x128xf32, #tpu.memory_space<vmem>>, vector<10000x128xf32>
    %add3A_11 = arith.addf %add3A, %get3A_10 : vector<10000x128xf32>
    %mul3A = vector.broadcast %get3A_7 : vector<10000x1xf32> to vector<10000x128xf32>
    %mul3A_12 = arith.mulf %add3A_11, %mul3A : vector<10000x128xf32>
    %get3A_13 = arith.constant 0 : index
    %get3A_14 = vector.load %arg3[%get3A_13] : memref<128xf32, #tpu.memory_space<vmem>>, vector<128xf32>
    %broadcast_in_dim3A = vector.shape_cast %get3A_14 : vector<128xf32> to vector<1x128xf32>
    %add3A_15 = vector.broadcast %broadcast_in_dim3A : vector<1x128xf32> to vector<10000x128xf32>
    %add3A_16 = arith.addf %mul3A_12, %add3A_15 : vector<10000x128xf32>
    %max3A = arith.constant 0.000000e+00 : f32
    %max3A_17 = vector.broadcast %max3A : f32 to vector<10000x128xf32>
    %max3A_18 = arith.maximumf %add3A_16, %max3A_17 : vector<10000x128xf32>
    %get3A_19 = arith.constant 0 : index
    %get3A_20 = arith.constant 0 : index
    %get3A_21 = vector.load %arg4[%get3A_19, %get3A_20] : memref<128x128xf32, #tpu.memory_space<vmem>>, vector<128x128xf32>
    %dot_general3A = arith.constant dense<0.000000e+00> : vector<10000x128xf32>
    %dot_general3A_22 = tpu.matmul %max3A_18, %get3A_21, %dot_general3A {dimension_numbers = #tpu.dot_dimension_numbers<[1], [0], [0], [1], [0, 0, 1, 1], [], []>, transpose_lhs_hint = false} : vector<10000x128xf32>, vector<128x128xf32>, vector<10000x128xf32> -> vector<10000x128xf32>
    %mul3A_23 = vector.broadcast %get3A_7 : vector<10000x1xf32> to vector<10000x128xf32>
    %mul3A_24 = arith.mulf %dot_general3A_22, %mul3A_23 : vector<10000x128xf32>
    %swap3A = arith.constant 0 : index
    %swap3A_25 = arith.constant 0 : index
    %swap3A_26 = vector.load %arg5[%swap3A, %swap3A_25] : memref<10000x128xf32, #tpu.memory_space<vmem>>, vector<10000x128xf32>
    tpu.vector_store %arg5[%swap3A, %swap3A_25], %mul3A_24 {strides = array<i32>} : memref<10000x128xf32, #tpu.memory_space<vmem>>, vector<10000x128xf32>,
    return
  }
}

</mosaic_0001>

<sc_bundles>
// kernel: kernel.11.cloned.1.call-start
scs
__scs_entry_jumppad:
0x0: {  	(pc) =	sbr.rel $0x88, $3  }
0x1: {  	(tag) =	ssettag $0x0;
	lr =	simm.s32 $0x1  }
0x2: {  	[smem:$0x3F9B] =	sst lr;
	_ =	strace $0xD0000000  }
0x3: {  	_ = 	snop  }
0x4: {  	_ = 	snop  }
0x5: {  	_ = 	snop  }
0x6: {  	_ = 	snop  }
0x7: {  	_ = 	snop  }
__scs_overlays_trampoline_lowered:
0x8: {  	[smem:$0x3FAA] =	sst s0  }
0x9: {  	[smem:$0x3FAB] =	sst s1  }
0xa: {  	[smem:$0x3FAC] =	sst s2  }
0xb: {  	[smem:$0x3FAD] =	sst s3  }
0xc: {  	[smem:$0x3FAE] =	sst s4  }
0xd: {  	[smem:$0x3FAF] =	sst s5  }
0xe: {  	[smem:$0x3FB0] =	sst s6  }
0xf: {  	[smem:$0x3FB1] =	sst s7  }
0x10: {  	[smem:$0x3FB2] =	sst s8  }
0x11: {  	[smem:$0x3FB3] =	sst s9;
	s0 =	simm.s32 @!p0 $0x0  }
0x12: {  	s1 =	sld [smem:$0x3F99];
	s0 =	simm.s32 @p0 $0x1  }
0x13: {  	[smem:$0x3FB4] =	sst s0;
	s0 =	simm.s32 @!p1 $0x0  }
0x14: {  	s2 =	sld [smem:$0x3F98];
	s0 =	simm.s32 @p1 $0x1  }
0x15: {  	[smem:$0x3FB5] =	sst s0;
	s0 =	simm.s32 @!p2 $0x0  }
0x16: {  	s3 =	sld [smem:$0x3FDB];
	s0 =	simm.s32 @p2 $0x1  }
0x17: {  	s4 =	simm.s32 $0x1BF5;
	[smem:$0x3FB7] =	sst s0  }
0x18: {  	s0 =	sld [smem:$0x3F9A];
	_ =	swait.ge [sflag:s4], $0x0  }
0x19: {  	s7 =	sld [smem:$0x3F9B]  }
0x1a: {  	s8 =	sadd.s32 $0xFFFFE003, lr  }
0x1b: {  	s9 =	sadd.s32 $0xFFFFFEF7, lr;
	s5 =	simm.s32 $0xFFFFFFFF;
	p2 =	slt.u32 s8, $0xFFFFF086  }
0x1c: {  	p1 =	slt.u32 s9, $0xF7A;
	s5 =	simm.s32 @!p2 $0x0  }
0x1d: {  	s5 =	simm.s32 @p1 $0x1;
	p0 =	seq.s32 s7, s2  }
0x1e: {  	s7 =	smul.u32 @!p0 $0xF7A, s2;
	p2 =	seq.s32 @!p0 s5, $0x0  }
0x1f: {  	s9 =	smul.u32 $0xF7A, s1;
	s8 =	simm.s32 @!p0 $0x1BF5;
	p2 =	por !p2, p0  }
0x20: {  	[sflag:s8] =	ssyncset.s32 @!p0 $0xFFFFF086;
	s6 =	sadd.s32 @!p0 s3, s7;
	s7 =	simm.s32 @!p0 $0x108  }
0x21: {  	s3 =	sadd.s32 s3, s9;
	s6 =	sadd.s32 @!p0 $0x88, s6;
	s7 =	simm.s32 @p2 $0x1082  }
0x22: {  	[simem:s7], [sflag:s8] =	dma.local @!p0 [hbm:s6], $0xF7A  }
0x23: {  	s9 =	sor.u32 $0xD0000000, s2;
	s6 =	simm.s32 $0x108;
	_ =	swait.ge @!p0 [sflag:s8], $0x0  }
0x24: {  	s3 =	sadd.s32 $0x88, s3;
	s6 =	simm.s32 @!p1 $0x1082;
	[sflag:s4] =	ssyncset.s32 $0xFFFFF086  }
0x25: {  	[simem:s6], [sflag:s4] =	dma.local [hbm:s3], $0xF7A  }
0x26: {  	[smem:$0x3F9B] =	sst s1;
	(tag) =	ssettag s2;
	_ =	strace s9  }
0x27: {  	s1 =	sld [smem:$0x3FAB]  }
0x28: {  	s2 =	sld [smem:$0x3FAC]  }
0x29: {  	s4 =	sld [smem:$0x3FAE]  }
0x2a: {  	p0 =	seq.s32 s5, $0x0;
	s5 =	sld [smem:$0x3FAF]  }
0x2b: {  	s6 =	sld [smem:$0x3FB0]  }
0x2c: {  	s7 =	sld [smem:$0x3FB1]  }
0x2d: {  	s3 =	simm.s32 $0x108;
	s8 =	sld [smem:$0x3FB2]  }
0x2e: {  	s3 =	simm.s32 @!p0 $0x1082;
	s9 =	sld [smem:$0x3FB3]  }
0x2f: {  	lr =	sadd.s32 s0, s3;
	s0 =	sld [smem:$0x3FAA]  }
0x30: {  	s3 =	sld [smem:$0x3FAD]  }
0x31: {  	[smem:$0x3FB6] =	sst s10  }
0x32: {  	s10 =	sld [smem:$0x3FB4];
	_ =	sdelay $0x3  }
0x33: {  	p0 =	seq.s32 s10, $0x1;
	s10 =	sld [smem:$0x3FB6];
	_ =	sdelay $0x3  }
0x34: {  	[smem:$0x3FB6] =	sst s10  }
0x35: {  	s10 =	sld [smem:$0x3FB5];
	_ =	sdelay $0x3  }
0x36: {  	p1 =	seq.s32 s10, $0x1;
	s10 =	sld [smem:$0x3FB6];
	_ =	sdelay $0x3  }
0x37: {  	[smem:$0x3FB6] =	sst s10  }
0x38: {  	s10 =	sld [smem:$0x3FB7]  }
0x39: {  	_ = 	snop;
	(pc) =	sbr.ind lr, $3  }
0x3a: {  	_ = 	snop  }
0x3b: {  	_ = 	snop  }
0x3c: {  	p2 =	seq.s32 s10, $0x1;
	s10 =	sld [smem:$0x3FB6]  }
0x3d: {  	_ =	shalt  }
0x3e: {  	_ =	shalt  }
0x3f: {  	_ =	shalt  }
0x40: {  	_ =	shalt  }
0x41: {  	_ =	shalt  }
0x42: {  	_ =	shalt  }
0x43: {  	_ =	shalt  }
0x44: {  	_ =	shalt  }
0x45: {  	_ =	shalt  }
0x46: {  	_ =	shalt  }
0x47: {  	_ =	shalt  }
0x48: {  	_ =	shalt  }
0x49: {  	_ =	shalt  }
0x4a: {  	_ =	shalt  }
0x4b: {  	_ =	shalt  }
0x4c: {  	_ =	shalt  }
0x4d: {  	_ =	shalt  }
0x4e: {  	_ =	shalt  }
0x4f: {  	_ =	shalt  }
0x50: {  	_ =	shalt  }
0x51: {  	_ =	shalt  }
0x52: {  	_ =	shalt  }
0x53: {  	_ =	shalt  }
0x54: {  	_ =	shalt  }
0x55: {  	_ =	shalt  }
0x56: {  	_ =	shalt  }
0x57: {  	_ =	shalt  }
0x58: {  	_ =	shalt  }
0x59: {  	_ =	shalt  }
0x5a: {  	_ =	shalt  }
0x5b: {  	_ =	shalt  }
0x5c: {  	_ =	shalt  }
0x5d: {  	_ =	shalt  }
0x5e: {  	_ =	shalt  }
0x5f: {  	_ =	shalt  }
0x60: {  	_ =	shalt  }
0x61: {  	_ =	shalt  }
0x62: {  	_ =	shalt  }
0x63: {  	_ =	shalt  }
0x64: {  	_ =	shalt  }
0x65: {  	_ =	shalt  }
0x66: {  	_ =	shalt  }
0x67: {  	_ =	shalt  }
0x68: {  	_ =	shalt  }
0x69: {  	_ =	shalt  }
0x6a: {  	_ =	shalt  }
0x6b: {  	_ =	shalt  }
0x6c: {  	_ =	shalt  }
0x6d: {  	_ =	shalt  }
0x6e: {  	_ =	shalt  }
0x6f: {  	_ =	shalt  }
0x70: {  	_ =	shalt  }
0x71: {  	_ =	shalt  }
0x72: {  	_ =	shalt  }
0x73: {  	_ =	shalt  }
0x74: {  	_ =	shalt  }
0x75: {  	_ =	shalt  }
0x76: {  	_ =	shalt  }
0x77: {  	_ =	shalt  }
0x78: {  	_ =	shalt  }
0x79: {  	_ =	shalt  }
0x7a: {  	_ =	shalt  }
0x7b: {  	_ =	shalt  }
0x7c: {  	_ =	shalt  }
0x7d: {  	_ =	shalt  }
0x7e: {  	_ =	shalt  }
0x7f: {  	_ =	shalt  }
0x80: {  	_ =	shalt  }
0x81: {  	_ =	shalt  }
0x82: {  	_ =	shalt  }
0x83: {  	_ =	shalt  }
0x84: {  	_ =	shalt  }
0x85: {  	_ =	shalt  }
0x86: {  	_ =	shalt  }
0x87: {  	_ =	shalt  }
.Lfunc_end0:
.L_simem_size_0:
called_computation.1_lowered:
.L_overlay_start_0:
0x88: {  	s2 =	sld [smem:$0x3FD9]  }
0x89: {  	s3 =	sld [smem:$0x3FFE];
	_ =	sdelay $0x1  }
0x8a: {  	s1 =	srdreg.scid  }
0x8b: {  	s0 =	sand.u32 $0x1, s1  }
0x8c: {  	s17 =	sshll.u32 s0, $0xA;
	s2 =	sadd.s32 s3, s2  }
0x8d: {  	s2 =	sadd.s32 s2, s17  }
0x8e: {  	[smem:$0x3FC2] =	sst s2  }
0x8f: {  	_ = 	snop  }
0x90: {  	s2 =	sld [smem:$0x3FD0];
	(tm) =	ssettm $0x1  }
0x91: {  	s18 =	sld [smem:$0x3FFB];
	_ =	sdelay $0x3  }
0x92: {  	_ =	strace s18  }
0x93: {  	s3 =	sld [smem:$0x3FFC];
	_ =	sdelay $0x3  }
0x94: {  	_ =	strace s3  }
0x95: {  	s3 =	sld [smem:$0x3FFD];
	_ =	sdelay $0x3  }
0x96: {  	_ =	strace s3  }
0x97: {  	_ =	strace $0x8FFFFFFF  }
0x98: {  	s19 =	sld [smem:$0x3FDB];
	_ =	sdelay $0x1  }
0x99: {  	s4 =	simm.s32 $_scs_section_size  }
0x9a: {  	s5 =	simm.s32 $_size__tile_overlayer_lowered;
	s6 =	simm.s32 $_tile_overlayer_lowered  }
0x9b: {  	s22 =	simm.s32 $0x1BFF;
	s21 =	sshll.u32 s6, $0x1;
	s3 =	sadd.s32 s4, s19  }
0x9c: {  	s7 =	simm.s32 $0x0;
	s20 =	sshll.u32 s5, $0x1;
	s5 =	sadd.s32 s21, s3  }
0x9d: {  	[timem:s7], [sflag:s22] =	dma.local [hbm:s5], s20  }
0x9e: {  	_ =	swait.ge [sflag:s22], s20  }
0x9f: {  	s4 =	ssub.s32 $0x0, s20;
	[sflag:s22] =	ssyncset.done $0x0  }
0xa0: {  	[sflag:s22] =	ssyncadd.s32 s4;
	_ =	sdelay $0x1  }
0xa1: {  	s23 =	simm.s32 $0x1B8B  }
0xa2: {  	_ =	swait.ge [sflag:s23], $0x1  }
0xa3: {  	[sflag:s23] =	ssyncset.done $0x0  }
0xa4: {  	s25 =	simm.s32 $0x1B8E;
	s24 =	sld [smem:$0x3FFE];
	[sflag:s23] =	ssyncadd.s32 $0xFFFFFFFF  }
0xa5: {  	s26 =	simm.s32 $execute0_lowered;
	[smem:$0x3FD2] =	sst s25  }
0xa6: {  	s5 =	sshll.u32 s26, $0x1;
	_ =	strace $0x80000049;
	[dreg:$0x1] =	wrdreg $0xFFFFFFFF  }
0xa7: {  	s28 =	simm.s32 $_size_execute0_lowered;
	s3 =	sadd.s32 s3, s5;
	[dreg:$0x0] =	wrdreg $0x0  }
0xa8: {  	s5 =	sshll.u32 s28, $0x1;
	[dreg:$0x2] =	wrdreg s3  }
0xa9: {  	[dreg:$0x3] =	wrdreg s5  }
0xaa: {  	[dreg:$0x4] =	wrdreg $0xC0  }
0xab: {  	_ =	task [dreg:s7], $0x5FFFF  }
0xac: {  	[dreg:$0x1] =	wrdreg $0xFFFFFFFF  }
0xad: {  	[dreg:$0x0] =	wrdreg $0x60  }
0xae: {  	[dreg:$0x2] =	wrdreg s2  }
0xaf: {  	[dreg:$0x3] =	wrdreg s24  }
0xb0: {  	[dreg:$0x4] =	wrdreg $0x90000  }
0xb1: {  	[dreg:$0x5] =	wrdreg $0x9  }
0xb2: {  	_ =	task.clear_ibuf [dreg:s7], $0x6FFFF;
	_ =	strace $0x90000049  }
0xb3: {  	s29 =	simm.s32 $0x9;
	_ =	strace $0x8000004B  }
0xb4: {  	_ =	swait.ge [sflag:s29], $0x1  }
0xb5: {  	[sflag:s29] =	ssyncadd.s32 $0xFFFFFFFF  }
0xb6: {  	_ =	strace $0x9000004B  }
0xb7: {  	_ =	sfence  }
0xb8: {  	s30 =	sld [smem:$0x0];
	_ =	sdelay $0x2  }
0xb9: {  	s31 =	sshll.u32 s1, $0xD;
	s1 =	sshrl.u32 s1, $0x2  }
0xba: {  	s3 =	sand.u32 $0x4000, s31;
	s1 =	sadd.s32 s1, s30  }
0xbb: {  	s0 =	sor.u32 s3, s0;
	s1 =	sshll.u32 s1, $0x11  }
0xbc: {  	s0 =	sor.u32 s1, s0  }
0xbd: {  	s0 =	sadd.s32 $0x8F2B, s0  }
0xbe: {  	[sflag:s0] =	ssyncadd.remote.s32 $0x1  }
0xbf: {  	_ =	sfence.sel $0xFFFF  }
0xc0: {  	[dreg:$0x0] =	wrdreg $0xFFFFFFFF;
	(pc) =	sbr.abs _section_cstart, $3  }
0xc1: {  	[dreg:$0x1] =	wrdreg $0xFFFFFFFF  }
0xc2: {  	_ =	task.clear_ibuf [dreg:s7], $0x2FFFF;
	_ =	strace $0x9FFFFFFF  }
0xc3: {  	(tm) =	ssettm $0x7FFFFFFF  }
tec
execute0_lowered:
.L_overlay_start_1:
0x0: {  	(tag) =	ssettag $0x1  }
0x1: {  	s0 =	rddreg [dreg:$0x0]  }
0x2: {  	s1 =	srdreg.scid;
	s6 =	rddreg [dreg:$0x1]  }
0x3: {  	s3 =	rddreg [dreg:$0x2];
	s2 =	stileid.u32  }
0x4: {  	s4 =	simm.s32 $0x0;
	s21 =	simm.s32 $0x2800;
	s22 =	simm.s32 $0x80  }
0x5: {  	s23 =	simm.s32 $0x1;
	s8 =	sand.u32 $0x1, s1;
	s1 =	rddreg [dreg:$0x3]  }
0x6: {  	s24 =	simm.s32 $0x0;
	[smem:$0x7FF] =	sst s4;
	s7 =	smul.u32 $0x50000, s2  }
0x7: {  	s13 =	smul.u32 $0x14000, s2;
	s17 =	sadd.s32 $0x17400, s6;
	s5 =	sshll.u32 s8, $0x4  }
0x8: {  	_ =	strace $0x8000004A;
	s9 =	ssub.s32 $0x2, s8;
	s20 =	smul.u32 $0x140000, s8  }
0x9: {  	s5 =	sor.u32 s2, s5;
	s30 =	sshrl.u32 s9, $0x1;
	s31 =	sshrl.u32 s7, $0x2  }
0xa: {  	s14 =	sadd.s32 $0x4000, s13;
	s15 =	sadd.s32 $0x8000, s13;
	s16 =	sadd.s32 $0xC000, s13  }
0xb: {  	s19 =	sadd.s32 $0x10000, s13;
	s5 =	smul.u32 $0x500, s5;
	s18 =	ssub.s32 s9, s30  }
0xc: {  	s7 =	sadd.s32 s14, s3;
	s8 =	sadd.s32 s15, s3;
	s9 =	sadd.s32 s16, s3  }
0xd: {  	s10 =	sadd.s32 s19, s3;
	s13 =	sadd.s32 s13, s20;
	s14 =	sadd.s32 s20, s14  }
0xe: {  	s15 =	sadd.s32 s20, s15;
	s16 =	sadd.s32 s20, s16;
	s19 =	sadd.s32 s20, s19  }
0xf: {  	s20 =	simm.s32 $0x2;
	s13 =	sshrl.u32 s13, $0x3;
	s14 =	sshrl.u32 s14, $0x3  }
0x10: {  	s15 =	sshrl.u32 s15, $0x3;
	s16 =	sshrl.u32 s16, $0x3;
	s19 =	sshrl.u32 s19, $0x3  }
0x11: {  	s18 =	smax.u32 s18, $0x1;
	s12 =	sadd.s32 s5, s6;
	s5 =	sadd.s32 $0x16C00, s6  }
0x12: {  	s6 =	sadd.s32 s31, s3;
	s13 =	sadd.s32 s17, s13;
	s14 =	sadd.s32 s17, s14  }
0x13: {  	s15 =	sadd.s32 s17, s15;
	s16 =	sadd.s32 s17, s16;
	s17 =	sadd.s32 s17, s19  }
0x14: {  	s19 =	simm.s32 $0x5000;
	s11 =	sadd.s32 $0xCC00, s12;
	s12 =	sadd.s32 $0x2800, s12  }
.LBB2_1:
0x15: {  	[tilespmem:s19], [sflag:$0x2] =	stream.linear.gather [hbm4b:s5+s4], $0x4000, $0x38;
	[tilespmem:$0x1D000] =	vst v63  }
0x16: {  	_ =	swait.ge [sflag:s20], $0x4000  }
0x17: {  	[sflag:s20] =	ssyncset.done $0x0  }
0x18: {  	[sflag:s20] =	ssyncadd.s32 $0xFFFFC000  }
0x19: {  	[spmem:s6] =	stream.linear.scatter [tilespmem:s19], [sflag:$0x2], $0x4000, $0x38;
	[tilespmem:$0x1D000] =	vst v63  }
0x1a: {  	_ =	swait.ge [sflag:s20], $0x4000  }
0x1b: {  	[sflag:s20] =	ssyncset.done $0x0  }
0x1c: {  	[sflag:s20] =	ssyncadd.s32 $0xFFFFC000  }
0x1d: {  	[spmem:s7] =	stream.linear.scatter [tilespmem:s19], [sflag:$0x2], $0x4000, $0x38;
	[tilespmem:$0x1D000] =	vst v63  }
0x1e: {  	_ =	swait.ge [sflag:s20], $0x4000  }
0x1f: {  	[sflag:s20] =	ssyncset.done $0x0  }
0x20: {  	[sflag:s20] =	ssyncadd.s32 $0xFFFFC000  }
0x21: {  	[spmem:s8] =	stream.linear.scatter [tilespmem:s19], [sflag:$0x2], $0x4000, $0x38;
	[tilespmem:$0x1D000] =	vst v63  }
0x22: {  	_ =	swait.ge [sflag:s20], $0x4000  }
0x23: {  	[sflag:s20] =	ssyncset.done $0x0  }
0x24: {  	[sflag:s20] =	ssyncadd.s32 $0xFFFFC000  }
0x25: {  	[spmem:s9] =	stream.linear.scatter [tilespmem:s19], [sflag:$0x2], $0x4000, $0x38;
	[tilespmem:$0x1D000] =	vst v63  }
0x26: {  	_ =	swait.ge [sflag:s20], $0x4000  }
0x27: {  	[sflag:s20] =	ssyncset.done $0x0  }
0x28: {  	[sflag:s20] =	ssyncadd.s32 $0xFFFFC000  }
0x29: {  	[spmem:s10] =	stream.linear.scatter [tilespmem:s19], [sflag:$0x2], $0x4000, $0x38;
	[tilespmem:$0x1D000] =	vst v63  }
0x2a: {  	_ =	swait.ge [sflag:s20], $0x4000  }
0x2b: {  	[sflag:s20] =	ssyncset.done $0x0  }
0x2c: {  	[sflag:s20] =	ssyncadd.s32 $0xFFFFC000  }
0x2d: {  	[bflag:$0x0] =	sbarrier.arrive $0xFFFF  }
0x2e: {  	[tilespmem:s4], [sflag:$0x2] =	stream.linear.gather [hbm4b:s11+s4], $0x2780, $0x38;
	[tilespmem:$0x1D000] =	vst v63  }
0x2f: {  	_ =	swait.ge [sflag:s20], $0x2780  }
0x30: {  	[sflag:s20] =	ssyncset.done $0x0  }
0x31: {  	[sflag:s20] =	ssyncadd.s32 $0xFFFFD880  }
0x32: {  	[tilespmem:s21], [sflag:$0x2] =	stream.linear.gather [hbm4b:s12+s4], $0x2780, $0x38;
	[tilespmem:$0x1D000] =	vst v63  }
0x33: {  	_ =	swait.ge [sflag:s20], $0x2780  }
0x34: {  	[sflag:s20] =	ssyncset.done $0x0  }
0x35: {  	s25 =	simm.s32 $0x0;
	[sflag:s20] =	ssyncadd.s32 $0xFFFFD880  }
0x36: {  	[tilespmem:s19], [sflag:$0x1] =	stream.indirect.gather [hbm4b:s0+s22], $0x80, s25, s22, $0xb8;
	[tilespmem:$0x1D000] =	vst v63  }
0x37: {  	_ =	swait.ge [sflag:s23], $0x4000  }
0x38: {  	[sflag:s23] =	ssyncset.done $0x0  }
0x39: {  	s31 =	simm.s32 $0x2800;
	[sflag:s23] =	ssyncadd.s32 $0xFFFFC000  }
0x3a: {  	[spmem:s3] =	stream.indirect.scatter.add.f32 [tilespmem:s19], [sflag:$0x2], $0x80, s31, s22, $0xb8;
	[tilespmem:$0x1D000] =	vst v63  }
0x3b: {  	_ =	swait.ge [sflag:s20], $0x4000  }
0x3c: {  	s26 =	simm.s32 $0x400;
	s25 =	simm.s32 $0x200;
	[sflag:s20] =	ssyncset.done $0x0  }
.LBB2_2:
0x3d: {  	s28 =	sshra.s32 s25, $0x2  }
0x3e: {  	[sflag:s20] =	ssyncadd.s32 $0xFFFFC000;
	s25 =	smov.u32 s26;
	s29 =	sadd.s32 $0x200, s26  }
0x3f: {  	[tilespmem:s19], [sflag:$0x1] =	stream.indirect.gather [hbm4b:s0+s22], $0x80, s28, s22, $0xb8;
	[tilespmem:$0x1D000] =	vst v63  }
0x40: {  	p0 =	sne.s32 s26, $0x9C00;
	_ =	swait.ge [sflag:s23], $0x4000  }
.Ltmp0:
0x41: {  	[sflag:s23] =	ssyncset.done $0x0;
	(pc) =	sbr.rel @p0 .LBB2_2-.Ltmp0, $4  }
0x42: {  	s26 =	sadd.s32 $0x2800, s28;
	[sflag:s23] =	ssyncadd.s32 $0xFFFFC000  }
0x43: {  	[spmem:s3] =	stream.indirect.scatter.add.f32 [tilespmem:s19], [sflag:$0x2], $0x80, s26, s22, $0xb8;
	[tilespmem:$0x1D000] =	vst v63  }
0x44: {  	_ =	swait.ge [sflag:s20], $0x4000  }
0x45: {  	s26 =	smov.u32 s29;
	[sflag:s20] =	ssyncset.done $0x0  }
0x46: {  	s25 =	sshra.s32 s25, $0x2;
	[sflag:s20] =	ssyncadd.s32 $0xFFFFC000  }
0x47: {  	[tilespmem:s19], [sflag:$0x1] =	stream.indirect.gather [hbm4b:s0+s22], $0x80, s25, s22, $0xb8;
	[tilespmem:$0x1D000] =	vst v63  }
0x48: {  	_ =	swait.ge [sflag:s23], $0x4000  }
0x49: {  	[sflag:s23] =	ssyncset.done $0x0  }
0x4a: {  	s25 =	sadd.s32 $0x2800, s25;
	[sflag:s23] =	ssyncadd.s32 $0xFFFFC000  }
0x4b: {  	[spmem:s3] =	stream.indirect.scatter.add.f32 [tilespmem:s19], [sflag:$0x2], $0x80, s25, s22, $0xb8;
	[tilespmem:$0x1D000] =	vst v63  }
0x4c: {  	_ =	swait.ge [sflag:s20], $0x4000  }
0x4d: {  	[sflag:s20] =	ssyncset.done $0x0  }
0x4e: {  	[sflag:s20] =	ssyncadd.s32 $0xFFFFC000  }
0x4f: {  	[bflag:$0x0] =	sbarrier.arrive $0xFFFF  }
0x50: {  	[tilespmem:s19], [sflag:$0x2] =	stream.linear.gather [spmem:s6], $0x4000, $0x38;
	[tilespmem:$0x1D000] =	vst v63  }
0x51: {  	_ =	swait.ge [sflag:s20], $0x4000  }
0x52: {  	[sflag:s20] =	ssyncset.done $0x0  }
0x53: {  	[sflag:s20] =	ssyncadd.s32 $0xFFFFC000  }
0x54: {  	[hbm4b:s13+s4] =	stream.linear.scatter [tilespmem:s19], [sflag:$0x2], $0x4000, $0x38;
	[tilespmem:$0x1D000] =	vst v63  }
0x55: {  	_ =	swait.ge [sflag:s20], $0x4000  }
0x56: {  	[sflag:s20] =	ssyncset.done $0x0  }
0x57: {  	[sflag:s20] =	ssyncadd.s32 $0xFFFFC000  }
0x58: {  	[tilespmem:s19], [sflag:$0x2] =	stream.linear.gather [spmem:s7], $0x4000, $0x38;
	[tilespmem:$0x1D000] =	vst v63  }
0x59: {  	_ =	swait.ge [sflag:s20], $0x4000  }
0x5a: {  	[sflag:s20] =	ssyncset.done $0x0  }
0x5b: {  	[sflag:s20] =	ssyncadd.s32 $0xFFFFC000  }
0x5c: {  	[hbm4b:s14+s4] =	stream.linear.scatter [tilespmem:s19], [sflag:$0x2], $0x4000, $0x38;
	[tilespmem:$0x1D000] =	vst v63  }
0x5d: {  	_ =	swait.ge [sflag:s20], $0x4000  }
0x5e: {  	[sflag:s20] =	ssyncset.done $0x0  }
0x5f: {  	[sflag:s20] =	ssyncadd.s32 $0xFFFFC000  }
0x60: {  	[tilespmem:s19], [sflag:$0x2] =	stream.linear.gather [spmem:s8], $0x4000, $0x38;
	[tilespmem:$0x1D000] =	vst v63  }
0x61: {  	_ =	swait.ge [sflag:s20], $0x4000  }
0x62: {  	[sflag:s20] =	ssyncset.done $0x0  }
0x63: {  	[sflag:s20] =	ssyncadd.s32 $0xFFFFC000  }
0x64: {  	[hbm4b:s15+s4] =	stream.linear.scatter [tilespmem:s19], [sflag:$0x2], $0x4000, $0x38;
	[tilespmem:$0x1D000] =	vst v63  }
0x65: {  	_ =	swait.ge [sflag:s20], $0x4000  }
0x66: {  	[sflag:s20] =	ssyncset.done $0x0  }
0x67: {  	[sflag:s20] =	ssyncadd.s32 $0xFFFFC000  }
0x68: {  	[tilespmem:s19], [sflag:$0x2] =	stream.linear.gather [spmem:s9], $0x4000, $0x38;
	[tilespmem:$0x1D000] =	vst v63  }
0x69: {  	_ =	swait.ge [sflag:s20], $0x4000  }
0x6a: {  	[sflag:s20] =	ssyncset.done $0x0  }
0x6b: {  	[sflag:s20] =	ssyncadd.s32 $0xFFFFC000  }
0x6c: {  	[hbm4b:s16+s4] =	stream.linear.scatter [tilespmem:s19], [sflag:$0x2], $0x4000, $0x38;
	[tilespmem:$0x1D000] =	vst v63  }
0x6d: {  	_ =	swait.ge [sflag:s20], $0x4000  }
0x6e: {  	[sflag:s20] =	ssyncset.done $0x0  }
0x6f: {  	[sflag:s20] =	ssyncadd.s32 $0xFFFFC000  }
0x70: {  	[tilespmem:s19], [sflag:$0x2] =	stream.linear.gather [spmem:s10], $0x4000, $0x38;
	[tilespmem:$0x1D000] =	vst v63  }
0x71: {  	s24 =	sadd.s32 $0x1, s24;
	_ =	swait.ge [sflag:s20], $0x4000  }
0x72: {  	p0 =	sne.s32 s24, s18;
	[sflag:s20] =	ssyncset.done $0x0  }
.Ltmp1:
0x73: {  	[sflag:s20] =	ssyncadd.s32 $0xFFFFC000;
	(pc) =	sbr.rel @p0 .LBB2_1-.Ltmp1, $4  }
0x74: {  	[hbm4b:s17+s4] =	stream.linear.scatter [tilespmem:s19], [sflag:$0x2], $0x4000, $0x38;
	[tilespmem:$0x1D000] =	vst v63  }
0x75: {  	_ =	swait.ge [sflag:s20], $0x4000  }
0x76: {  	[sflag:s20] =	ssyncset.done $0x0  }
0x77: {  	[sflag:s20] =	ssyncadd.s32 $0xFFFFC000  }
0x78: {  	_ =	sfence.sel $0x180000  }
0x79: {  	[bflag:$0x0] =	sbarrier.arrive $0xFFFF  }
0x7a: {  	p0 =	sne.s32 s2, $0x0;
	_ =	strace $0x9000004A  }
0x7b: {  	s0 =	sadd.s32 @!p0 $0x100000, s1;
	[bflag:$0x2] =	sbarrier.arrive $0xFFFF  }
0x7c: {  	[sflag:s0] =	ssyncadd.tile.s32 @!p0 $0x1;
	_ =	shalt  }
.Lfunc_end2:
_tile_overlayer_lowered:
.L_overlay_start_2:
0x7d: {  	(tag) =	ssettag $0x2  }
0x7e: {  	s0 =	rddreg [dreg:$0x0];
	s2 =	stileid.u32  }
0x7f: {  	s1 =	rddreg [dreg:$0x1];
	p0 =	sne.s32 s2, $0x0  }
0x80: {  	s3 =	rddreg [dreg:$0x2];
	[bflag:$0x3] =	sbarrier.arrive $0xFFFF;
	s2 =	simm.s32 @!p0 $0x1C02  }
0x81: {  	[timem:s3], [sflag:s2] =	dma.local @!p0 [hbm:s0], s1  }
0x82: {  	s0 =	simm.s32 @!p0 $0x2  }
0x83: {  	_ =	swait.ge @!p0 [sflag:s0], s1  }
0x84: {  	s1 =	ssub.s32 @!p0 $0x0, s1;
	[sflag:s0] =	ssyncset.done @!p0 $0x0  }
0x85: {  	[sflag:s0] =	ssyncadd.s32 @!p0 s1  }
0x86: {  	[bflag:$0x3] =	sbarrier.arrive $0xFFFF  }
0x87: {  	_ =	shalt  }

// kernel: kernel.14.cloned.1.call-start
scs
__scs_entry_jumppad:
0x0: {  	(pc) =	sbr.rel $0x88, $3  }
0x1: {  	(tag) =	ssettag $0x0;
	lr =	simm.s32 $0x1  }
0x2: {  	[smem:$0x3F9B] =	sst lr;
	_ =	strace $0xD0000000  }
0x3: {  	_ = 	snop  }
0x4: {  	_ = 	snop  }
0x5: {  	_ = 	snop  }
0x6: {  	_ = 	snop  }
0x7: {  	_ = 	snop  }
__scs_overlays_trampoline_lowered:
0x8: {  	[smem:$0x3FAA] =	sst s0  }
0x9: {  	[smem:$0x3FAB] =	sst s1  }
0xa: {  	[smem:$0x3FAC] =	sst s2  }
0xb: {  	[smem:$0x3FAD] =	sst s3  }
0xc: {  	[smem:$0x3FAE] =	sst s4  }
0xd: {  	[smem:$0x3FAF] =	sst s5  }
0xe: {  	[smem:$0x3FB0] =	sst s6  }
0xf: {  	[smem:$0x3FB1] =	sst s7  }
0x10: {  	[smem:$0x3FB2] =	sst s8  }
0x11: {  	[smem:$0x3FB3] =	sst s9;
	s0 =	simm.s32 @!p0 $0x0  }
0x12: {  	s1 =	sld [smem:$0x3F99];
	s0 =	simm.s32 @p0 $0x1  }
0x13: {  	[smem:$0x3FB4] =	sst s0;
	s0 =	simm.s32 @!p1 $0x0  }
0x14: {  	s2 =	sld [smem:$0x3F98];
	s0 =	simm.s32 @p1 $0x1  }
0x15: {  	[smem:$0x3FB5] =	sst s0;
	s0 =	simm.s32 @!p2 $0x0  }
0x16: {  	s3 =	sld [smem:$0x3FDB];
	s0 =	simm.s32 @p2 $0x1  }
0x17: {  	s4 =	simm.s32 $0x1BF5;
	[smem:$0x3FB7] =	sst s0  }
0x18: {  	s0 =	sld [smem:$0x3F9A];
	_ =	swait.ge [sflag:s4], $0x0  }
0x19: {  	s7 =	sld [smem:$0x3F9B]  }
0x1a: {  	s8 =	sadd.s32 $0xFFFFE003, lr  }
0x1b: {  	s9 =	sadd.s32 $0xFFFFFEF7, lr;
	s5 =	simm.s32 $0xFFFFFFFF;
	p2 =	slt.u32 s8, $0xFFFFF086  }
0x1c: {  	p1 =	slt.u32 s9, $0xF7A;
	s5 =	simm.s32 @!p2 $0x0  }
0x1d: {  	s5 =	simm.s32 @p1 $0x1;
	p0 =	seq.s32 s7, s2  }
0x1e: {  	s7 =	smul.u32 @!p0 $0xF7A, s2;
	p2 =	seq.s32 @!p0 s5, $0x0  }
0x1f: {  	s9 =	smul.u32 $0xF7A, s1;
	s8 =	simm.s32 @!p0 $0x1BF5;
	p2 =	por !p2, p0  }
0x20: {  	[sflag:s8] =	ssyncset.s32 @!p0 $0xFFFFF086;
	s6 =	sadd.s32 @!p0 s3, s7;
	s7 =	simm.s32 @!p0 $0x108  }
0x21: {  	s3 =	sadd.s32 s3, s9;
	s6 =	sadd.s32 @!p0 $0x88, s6;
	s7 =	simm.s32 @p2 $0x1082  }
0x22: {  	[simem:s7], [sflag:s8] =	dma.local @!p0 [hbm:s6], $0xF7A  }
0x23: {  	s9 =	sor.u32 $0xD0000000, s2;
	s6 =	simm.s32 $0x108;
	_ =	swait.ge @!p0 [sflag:s8], $0x0  }
0x24: {  	s3 =	sadd.s32 $0x88, s3;
	s6 =	simm.s32 @!p1 $0x1082;
	[sflag:s4] =	ssyncset.s32 $0xFFFFF086  }
0x25: {  	[simem:s6], [sflag:s4] =	dma.local [hbm:s3], $0xF7A  }
0x26: {  	[smem:$0x3F9B] =	sst s1;
	(tag) =	ssettag s2;
	_ =	strace s9  }
0x27: {  	s1 =	sld [smem:$0x3FAB]  }
0x28: {  	s2 =	sld [smem:$0x3FAC]  }
0x29: {  	s4 =	sld [smem:$0x3FAE]  }
0x2a: {  	p0 =	seq.s32 s5, $0x0;
	s5 =	sld [smem:$0x3FAF]  }
0x2b: {  	s6 =	sld [smem:$0x3FB0]  }
0x2c: {  	s7 =	sld [smem:$0x3FB1]  }
0x2d: {  	s3 =	simm.s32 $0x108;
	s8 =	sld [smem:$0x3FB2]  }
0x2e: {  	s3 =	simm.s32 @!p0 $0x1082;
	s9 =	sld [smem:$0x3FB3]  }
0x2f: {  	lr =	sadd.s32 s0, s3;
	s0 =	sld [smem:$0x3FAA]  }
0x30: {  	s3 =	sld [smem:$0x3FAD]  }
0x31: {  	[smem:$0x3FB6] =	sst s10  }
0x32: {  	s10 =	sld [smem:$0x3FB4];
	_ =	sdelay $0x3  }
0x33: {  	p0 =	seq.s32 s10, $0x1;
	s10 =	sld [smem:$0x3FB6];
	_ =	sdelay $0x3  }
0x34: {  	[smem:$0x3FB6] =	sst s10  }
0x35: {  	s10 =	sld [smem:$0x3FB5];
	_ =	sdelay $0x3  }
0x36: {  	p1 =	seq.s32 s10, $0x1;
	s10 =	sld [smem:$0x3FB6];
	_ =	sdelay $0x3  }
0x37: {  	[smem:$0x3FB6] =	sst s10  }
0x38: {  	s10 =	sld [smem:$0x3FB7]  }
0x39: {  	_ = 	snop;
	(pc) =	sbr.ind lr, $3  }
0x3a: {  	_ = 	snop  }
0x3b: {  	_ = 	snop  }
0x3c: {  	p2 =	seq.s32 s10, $0x1;
	s10 =	sld [smem:$0x3FB6]  }
0x3d: {  	_ =	shalt  }
0x3e: {  	_ =	shalt  }
0x3f: {  	_ =	shalt  }
0x40: {  	_ =	shalt  }
0x41: {  	_ =	shalt  }
0x42: {  	_ =	shalt  }
0x43: {  	_ =	shalt  }
0x44: {  	_ =	shalt  }
0x45: {  	_ =	shalt  }
0x46: {  	_ =	shalt  }
0x47: {  	_ =	shalt  }
0x48: {  	_ =	shalt  }
0x49: {  	_ =	shalt  }
0x4a: {  	_ =	shalt  }
0x4b: {  	_ =	shalt  }
0x4c: {  	_ =	shalt  }
0x4d: {  	_ =	shalt  }
0x4e: {  	_ =	shalt  }
0x4f: {  	_ =	shalt  }
0x50: {  	_ =	shalt  }
0x51: {  	_ =	shalt  }
0x52: {  	_ =	shalt  }
0x53: {  	_ =	shalt  }
0x54: {  	_ =	shalt  }
0x55: {  	_ =	shalt  }
0x56: {  	_ =	shalt  }
0x57: {  	_ =	shalt  }
0x58: {  	_ =	shalt  }
0x59: {  	_ =	shalt  }
0x5a: {  	_ =	shalt  }
0x5b: {  	_ =	shalt  }
0x5c: {  	_ =	shalt  }
0x5d: {  	_ =	shalt  }
0x5e: {  	_ =	shalt  }
0x5f: {  	_ =	shalt  }
0x60: {  	_ =	shalt  }
0x61: {  	_ =	shalt  }
0x62: {  	_ =	shalt  }
0x63: {  	_ =	shalt  }
0x64: {  	_ =	shalt  }
0x65: {  	_ =	shalt  }
0x66: {  	_ =	shalt  }
0x67: {  	_ =	shalt  }
0x68: {  	_ =	shalt  }
0x69: {  	_ =	shalt  }
0x6a: {  	_ =	shalt  }
0x6b: {  	_ =	shalt  }
0x6c: {  	_ =	shalt  }
0x6d: {  	_ =	shalt  }
0x6e: {  	_ =	shalt  }
0x6f: {  	_ =	shalt  }
0x70: {  	_ =	shalt  }
0x71: {  	_ =	shalt  }
0x72: {  	_ =	shalt  }
0x73: {  	_ =	shalt  }
0x74: {  	_ =	shalt  }
0x75: {  	_ =	shalt  }
0x76: {  	_ =	shalt  }
0x77: {  	_ =	shalt  }
0x78: {  	_ =	shalt  }
0x79: {  	_ =	shalt  }
0x7a: {  	_ =	shalt  }
0x7b: {  	_ =	shalt  }
0x7c: {  	_ =	shalt  }
0x7d: {  	_ =	shalt  }
0x7e: {  	_ =	shalt  }
0x7f: {  	_ =	shalt  }
0x80: {  	_ =	shalt  }
0x81: {  	_ =	shalt  }
0x82: {  	_ =	shalt  }
0x83: {  	_ =	shalt  }
0x84: {  	_ =	shalt  }
0x85: {  	_ =	shalt  }
0x86: {  	_ =	shalt  }
0x87: {  	_ =	shalt  }
.Lfunc_end0:
.L_simem_size_0:
called_computation.2_lowered:
.L_overlay_start_0:
0x88: {  	s2 =	sld [smem:$0x3FD9]  }
0x89: {  	s3 =	sld [smem:$0x3FFE];
	_ =	sdelay $0x1  }
0x8a: {  	s1 =	srdreg.scid  }
0x8b: {  	s0 =	sand.u32 $0x1, s1  }
0x8c: {  	s17 =	sshll.u32 s0, $0xA;
	s2 =	sadd.s32 s3, s2  }
0x8d: {  	s2 =	sadd.s32 s2, s17  }
0x8e: {  	[smem:$0x3FC2] =	sst s2  }
0x8f: {  	_ = 	snop  }
0x90: {  	s2 =	sld [smem:$0x3FD0];
	(tm) =	ssettm $0x1  }
0x91: {  	s18 =	sld [smem:$0x3FFB];
	_ =	sdelay $0x3  }
0x92: {  	_ =	strace s18  }
0x93: {  	s3 =	sld [smem:$0x3FFC];
	_ =	sdelay $0x3  }
0x94: {  	_ =	strace s3  }
0x95: {  	s3 =	sld [smem:$0x3FFD];
	_ =	sdelay $0x3  }
0x96: {  	_ =	strace s3  }
0x97: {  	_ =	strace $0x8FFFFFFF  }
0x98: {  	s19 =	sld [smem:$0x3FDB];
	_ =	sdelay $0x1  }
0x99: {  	s4 =	simm.s32 $_scs_section_size  }
0x9a: {  	s5 =	simm.s32 $_size__tile_overlayer_lowered;
	s6 =	simm.s32 $_tile_overlayer_lowered  }
0x9b: {  	s22 =	simm.s32 $0x1BFF;
	s21 =	sshll.u32 s6, $0x1;
	s3 =	sadd.s32 s4, s19  }
0x9c: {  	s7 =	simm.s32 $0x0;
	s20 =	sshll.u32 s5, $0x1;
	s5 =	sadd.s32 s21, s3  }
0x9d: {  	[timem:s7], [sflag:s22] =	dma.local [hbm:s5], s20  }
0x9e: {  	_ =	swait.ge [sflag:s22], s20  }
0x9f: {  	s4 =	ssub.s32 $0x0, s20;
	[sflag:s22] =	ssyncset.done $0x0  }
0xa0: {  	[sflag:s22] =	ssyncadd.s32 s4;
	_ =	sdelay $0x1  }
0xa1: {  	s23 =	simm.s32 $0x1B8B  }
0xa2: {  	_ =	swait.ge [sflag:s23], $0x1  }
0xa3: {  	[sflag:s23] =	ssyncset.done $0x0  }
0xa4: {  	s25 =	simm.s32 $0x1B8E;
	s24 =	sld [smem:$0x3FFE];
	[sflag:s23] =	ssyncadd.s32 $0xFFFFFFFF  }
0xa5: {  	s26 =	simm.s32 $execute0_lowered;
	[smem:$0x3FD2] =	sst s25  }
0xa6: {  	s5 =	sshll.u32 s26, $0x1;
	_ =	strace $0x8000004C;
	[dreg:$0x1] =	wrdreg $0xFFFFFFFF  }
0xa7: {  	s28 =	simm.s32 $_size_execute0_lowered;
	s3 =	sadd.s32 s3, s5;
	[dreg:$0x0] =	wrdreg $0x0  }
0xa8: {  	s5 =	sshll.u32 s28, $0x1;
	[dreg:$0x2] =	wrdreg s3  }
0xa9: {  	[dreg:$0x3] =	wrdreg s5  }
0xaa: {  	[dreg:$0x4] =	wrdreg $0xC0  }
0xab: {  	_ =	task [dreg:s7], $0x5FFFF  }
0xac: {  	[dreg:$0x1] =	wrdreg $0xFFFFFFFF  }
0xad: {  	[dreg:$0x0] =	wrdreg $0x60  }
0xae: {  	[dreg:$0x2] =	wrdreg s2  }
0xaf: {  	[dreg:$0x3] =	wrdreg s24  }
0xb0: {  	[dreg:$0x4] =	wrdreg $0x90000  }
0xb1: {  	[dreg:$0x5] =	wrdreg $0x9  }
0xb2: {  	_ =	task.clear_ibuf [dreg:s7], $0x6FFFF;
	_ =	strace $0x9000004C  }
0xb3: {  	s29 =	simm.s32 $0x9;
	_ =	strace $0x8000004E  }
0xb4: {  	_ =	swait.ge [sflag:s29], $0x1  }
0xb5: {  	[sflag:s29] =	ssyncadd.s32 $0xFFFFFFFF  }
0xb6: {  	_ =	strace $0x9000004E  }
0xb7: {  	_ =	sfence  }
0xb8: {  	s30 =	sld [smem:$0x0];
	_ =	sdelay $0x2  }
0xb9: {  	s31 =	sshll.u32 s1, $0xD;
	s1 =	sshrl.u32 s1, $0x2  }
0xba: {  	s3 =	sand.u32 $0x4000, s31;
	s1 =	sadd.s32 s1, s30  }
0xbb: {  	s0 =	sor.u32 s3, s0;
	s1 =	sshll.u32 s1, $0x11  }
0xbc: {  	s0 =	sor.u32 s1, s0  }
0xbd: {  	s0 =	sadd.s32 $0x8F2B, s0  }
0xbe: {  	[sflag:s0] =	ssyncadd.remote.s32 $0x1  }
0xbf: {  	_ =	sfence.sel $0xFFFF  }
0xc0: {  	[dreg:$0x0] =	wrdreg $0xFFFFFFFF;
	(pc) =	sbr.abs _section_cstart, $3  }
0xc1: {  	[dreg:$0x1] =	wrdreg $0xFFFFFFFF  }
0xc2: {  	_ =	task.clear_ibuf [dreg:s7], $0x2FFFF;
	_ =	strace $0x9FFFFFFF  }
0xc3: {  	(tm) =	ssettm $0x7FFFFFFF  }
tec
execute0_lowered:
.L_overlay_start_1:
0x0: {  	(tag) =	ssettag $0x1  }
0x1: {  	s0 =	rddreg [dreg:$0x0]  }
0x2: {  	s1 =	srdreg.scid;
	s6 =	rddreg [dreg:$0x1]  }
0x3: {  	s3 =	rddreg [dreg:$0x2];
	s2 =	stileid.u32  }
0x4: {  	s4 =	simm.s32 $0x0;
	s21 =	simm.s32 $0x2800;
	s22 =	simm.s32 $0x80  }
0x5: {  	s23 =	simm.s32 $0x1;
	s8 =	sand.u32 $0x1, s1;
	s1 =	rddreg [dreg:$0x3]  }
0x6: {  	s24 =	simm.s32 $0x0;
	[smem:$0x7FF] =	sst s4;
	s7 =	smul.u32 $0x50000, s2  }
0x7: {  	s13 =	smul.u32 $0x14000, s2;
	s17 =	sadd.s32 $0x17400, s6;
	s5 =	sshll.u32 s8, $0x4  }
0x8: {  	_ =	strace $0x8000004D;
	s9 =	ssub.s32 $0x2, s8;
	s20 =	smul.u32 $0x140000, s8  }
0x9: {  	s5 =	sor.u32 s2, s5;
	s30 =	sshrl.u32 s9, $0x1;
	s31 =	sshrl.u32 s7, $0x2  }
0xa: {  	s14 =	sadd.s32 $0x4000, s13;
	s15 =	sadd.s32 $0x8000, s13;
	s16 =	sadd.s32 $0xC000, s13  }
0xb: {  	s19 =	sadd.s32 $0x10000, s13;
	s5 =	smul.u32 $0x500, s5;
	s18 =	ssub.s32 s9, s30  }
0xc: {  	s7 =	sadd.s32 s14, s3;
	s8 =	sadd.s32 s15, s3;
	s9 =	sadd.s32 s16, s3  }
0xd: {  	s10 =	sadd.s32 s19, s3;
	s13 =	sadd.s32 s13, s20;
	s14 =	sadd.s32 s20, s14  }
0xe: {  	s15 =	sadd.s32 s20, s15;
	s16 =	sadd.s32 s20, s16;
	s19 =	sadd.s32 s20, s19  }
0xf: {  	s20 =	simm.s32 $0x2;
	s13 =	sshrl.u32 s13, $0x3;
	s14 =	sshrl.u32 s14, $0x3  }
0x10: {  	s15 =	sshrl.u32 s15, $0x3;
	s16 =	sshrl.u32 s16, $0x3;
	s19 =	sshrl.u32 s19, $0x3  }
0x11: {  	s18 =	smax.u32 s18, $0x1;
	s12 =	sadd.s32 s5, s6;
	s5 =	sadd.s32 $0x16C00, s6  }
0x12: {  	s6 =	sadd.s32 s31, s3;
	s13 =	sadd.s32 s17, s13;
	s14 =	sadd.s32 s17, s14  }
0x13: {  	s15 =	sadd.s32 s17, s15;
	s16 =	sadd.s32 s17, s16;
	s17 =	sadd.s32 s17, s19  }
0x14: {  	s19 =	simm.s32 $0x5000;
	s11 =	sadd.s32 $0xCC00, s12;
	s12 =	sadd.s32 $0x2800, s12  }
.LBB2_1:
0x15: {  	[tilespmem:s19], [sflag:$0x2] =	stream.linear.gather [hbm4b:s5+s4], $0x4000, $0x38;
	[tilespmem:$0x1D000] =	vst v63  }
0x16: {  	_ =	swait.ge [sflag:s20], $0x4000  }
0x17: {  	[sflag:s20] =	ssyncset.done $0x0  }
0x18: {  	[sflag:s20] =	ssyncadd.s32 $0xFFFFC000  }
0x19: {  	[spmem:s6] =	stream.linear.scatter [tilespmem:s19], [sflag:$0x2], $0x4000, $0x38;
	[tilespmem:$0x1D000] =	vst v63  }
0x1a: {  	_ =	swait.ge [sflag:s20], $0x4000  }
0x1b: {  	[sflag:s20] =	ssyncset.done $0x0  }
0x1c: {  	[sflag:s20] =	ssyncadd.s32 $0xFFFFC000  }
0x1d: {  	[spmem:s7] =	stream.linear.scatter [tilespmem:s19], [sflag:$0x2], $0x4000, $0x38;
	[tilespmem:$0x1D000] =	vst v63  }
0x1e: {  	_ =	swait.ge [sflag:s20], $0x4000  }
0x1f: {  	[sflag:s20] =	ssyncset.done $0x0  }
0x20: {  	[sflag:s20] =	ssyncadd.s32 $0xFFFFC000  }
0x21: {  	[spmem:s8] =	stream.linear.scatter [tilespmem:s19], [sflag:$0x2], $0x4000, $0x38;
	[tilespmem:$0x1D000] =	vst v63  }
0x22: {  	_ =	swait.ge [sflag:s20], $0x4000  }
0x23: {  	[sflag:s20] =	ssyncset.done $0x0  }
0x24: {  	[sflag:s20] =	ssyncadd.s32 $0xFFFFC000  }
0x25: {  	[spmem:s9] =	stream.linear.scatter [tilespmem:s19], [sflag:$0x2], $0x4000, $0x38;
	[tilespmem:$0x1D000] =	vst v63  }
0x26: {  	_ =	swait.ge [sflag:s20], $0x4000  }
0x27: {  	[sflag:s20] =	ssyncset.done $0x0  }
0x28: {  	[sflag:s20] =	ssyncadd.s32 $0xFFFFC000  }
0x29: {  	[spmem:s10] =	stream.linear.scatter [tilespmem:s19], [sflag:$0x2], $0x4000, $0x38;
	[tilespmem:$0x1D000] =	vst v63  }
0x2a: {  	_ =	swait.ge [sflag:s20], $0x4000  }
0x2b: {  	[sflag:s20] =	ssyncset.done $0x0  }
0x2c: {  	[sflag:s20] =	ssyncadd.s32 $0xFFFFC000  }
0x2d: {  	[bflag:$0x0] =	sbarrier.arrive $0xFFFF  }
0x2e: {  	[tilespmem:s4], [sflag:$0x2] =	stream.linear.gather [hbm4b:s11+s4], $0x2780, $0x38;
	[tilespmem:$0x1D000] =	vst v63  }
0x2f: {  	_ =	swait.ge [sflag:s20], $0x2780  }
0x30: {  	[sflag:s20] =	ssyncset.done $0x0  }
0x31: {  	[sflag:s20] =	ssyncadd.s32 $0xFFFFD880  }
0x32: {  	[tilespmem:s21], [sflag:$0x2] =	stream.linear.gather [hbm4b:s12+s4], $0x2780, $0x38;
	[tilespmem:$0x1D000] =	vst v63  }
0x33: {  	_ =	swait.ge [sflag:s20], $0x2780  }
0x34: {  	[sflag:s20] =	ssyncset.done $0x0  }
0x35: {  	s25 =	simm.s32 $0x0;
	[sflag:s20] =	ssyncadd.s32 $0xFFFFD880  }
0x36: {  	[tilespmem:s19], [sflag:$0x1] =	stream.indirect.gather [hbm4b:s0+s22], $0x80, s25, s22, $0xb8;
	[tilespmem:$0x1D000] =	vst v63  }
0x37: {  	_ =	swait.ge [sflag:s23], $0x4000  }
0x38: {  	[sflag:s23] =	ssyncset.done $0x0  }
0x39: {  	s31 =	simm.s32 $0x2800;
	[sflag:s23] =	ssyncadd.s32 $0xFFFFC000  }
0x3a: {  	[spmem:s3] =	stream.indirect.scatter.add.f32 [tilespmem:s19], [sflag:$0x2], $0x80, s31, s22, $0xb8;
	[tilespmem:$0x1D000] =	vst v63  }
0x3b: {  	_ =	swait.ge [sflag:s20], $0x4000  }
0x3c: {  	s26 =	simm.s32 $0x400;
	s25 =	simm.s32 $0x200;
	[sflag:s20] =	ssyncset.done $0x0  }
.LBB2_2:
0x3d: {  	s28 =	sshra.s32 s25, $0x2  }
0x3e: {  	[sflag:s20] =	ssyncadd.s32 $0xFFFFC000;
	s25 =	smov.u32 s26;
	s29 =	sadd.s32 $0x200, s26  }
0x3f: {  	[tilespmem:s19], [sflag:$0x1] =	stream.indirect.gather [hbm4b:s0+s22], $0x80, s28, s22, $0xb8;
	[tilespmem:$0x1D000] =	vst v63  }
0x40: {  	p0 =	sne.s32 s26, $0x9C00;
	_ =	swait.ge [sflag:s23], $0x4000  }
.Ltmp0:
0x41: {  	[sflag:s23] =	ssyncset.done $0x0;
	(pc) =	sbr.rel @p0 .LBB2_2-.Ltmp0, $4  }
0x42: {  	s26 =	sadd.s32 $0x2800, s28;
	[sflag:s23] =	ssyncadd.s32 $0xFFFFC000  }
0x43: {  	[spmem:s3] =	stream.indirect.scatter.add.f32 [tilespmem:s19], [sflag:$0x2], $0x80, s26, s22, $0xb8;
	[tilespmem:$0x1D000] =	vst v63  }
0x44: {  	_ =	swait.ge [sflag:s20], $0x4000  }
0x45: {  	s26 =	smov.u32 s29;
	[sflag:s20] =	ssyncset.done $0x0  }
0x46: {  	s25 =	sshra.s32 s25, $0x2;
	[sflag:s20] =	ssyncadd.s32 $0xFFFFC000  }
0x47: {  	[tilespmem:s19], [sflag:$0x1] =	stream.indirect.gather [hbm4b:s0+s22], $0x80, s25, s22, $0xb8;
	[tilespmem:$0x1D000] =	vst v63  }
0x48: {  	_ =	swait.ge [sflag:s23], $0x4000  }
0x49: {  	[sflag:s23] =	ssyncset.done $0x0  }
0x4a: {  	s25 =	sadd.s32 $0x2800, s25;
	[sflag:s23] =	ssyncadd.s32 $0xFFFFC000  }
0x4b: {  	[spmem:s3] =	stream.indirect.scatter.add.f32 [tilespmem:s19], [sflag:$0x2], $0x80, s25, s22, $0xb8;
	[tilespmem:$0x1D000] =	vst v63  }
0x4c: {  	_ =	swait.ge [sflag:s20], $0x4000  }
0x4d: {  	[sflag:s20] =	ssyncset.done $0x0  }
0x4e: {  	[sflag:s20] =	ssyncadd.s32 $0xFFFFC000  }
0x4f: {  	[bflag:$0x0] =	sbarrier.arrive $0xFFFF  }
0x50: {  	[tilespmem:s19], [sflag:$0x2] =	stream.linear.gather [spmem:s6], $0x4000, $0x38;
	[tilespmem:$0x1D000] =	vst v63  }
0x51: {  	_ =	swait.ge [sflag:s20], $0x4000  }
0x52: {  	[sflag:s20] =	ssyncset.done $0x0  }
0x53: {  	[sflag:s20] =	ssyncadd.s32 $0xFFFFC000  }
0x54: {  	[hbm4b:s13+s4] =	stream.linear.scatter [tilespmem:s19], [sflag:$0x2], $0x4000, $0x38;
	[tilespmem:$0x1D000] =	vst v63  }
0x55: {  	_ =	swait.ge [sflag:s20], $0x4000  }
0x56: {  	[sflag:s20] =	ssyncset.done $0x0  }
0x57: {  	[sflag:s20] =	ssyncadd.s32 $0xFFFFC000  }
0x58: {  	[tilespmem:s19], [sflag:$0x2] =	stream.linear.gather [spmem:s7], $0x4000, $0x38;
	[tilespmem:$0x1D000] =	vst v63  }
0x59: {  	_ =	swait.ge [sflag:s20], $0x4000  }
0x5a: {  	[sflag:s20] =	ssyncset.done $0x0  }
0x5b: {  	[sflag:s20] =	ssyncadd.s32 $0xFFFFC000  }
0x5c: {  	[hbm4b:s14+s4] =	stream.linear.scatter [tilespmem:s19], [sflag:$0x2], $0x4000, $0x38;
	[tilespmem:$0x1D000] =	vst v63  }
0x5d: {  	_ =	swait.ge [sflag:s20], $0x4000  }
0x5e: {  	[sflag:s20] =	ssyncset.done $0x0  }
0x5f: {  	[sflag:s20] =	ssyncadd.s32 $0xFFFFC000  }
0x60: {  	[tilespmem:s19], [sflag:$0x2] =	stream.linear.gather [spmem:s8], $0x4000, $0x38;
	[tilespmem:$0x1D000] =	vst v63  }
0x61: {  	_ =	swait.ge [sflag:s20], $0x4000  }
0x62: {  	[sflag:s20] =	ssyncset.done $0x0  }
0x63: {  	[sflag:s20] =	ssyncadd.s32 $0xFFFFC000  }
0x64: {  	[hbm4b:s15+s4] =	stream.linear.scatter [tilespmem:s19], [sflag:$0x2], $0x4000, $0x38;
	[tilespmem:$0x1D000] =	vst v63  }
0x65: {  	_ =	swait.ge [sflag:s20], $0x4000  }
0x66: {  	[sflag:s20] =	ssyncset.done $0x0  }
0x67: {  	[sflag:s20] =	ssyncadd.s32 $0xFFFFC000  }
0x68: {  	[tilespmem:s19], [sflag:$0x2] =	stream.linear.gather [spmem:s9], $0x4000, $0x38;
	[tilespmem:$0x1D000] =	vst v63  }
0x69: {  	_ =	swait.ge [sflag:s20], $0x4000  }
0x6a: {  	[sflag:s20] =	ssyncset.done $0x0  }
0x6b: {  	[sflag:s20] =	ssyncadd.s32 $0xFFFFC000  }
0x6c: {  	[hbm4b:s16+s4] =	stream.linear.scatter [tilespmem:s19], [sflag:$0x2], $0x4000, $0x38;
	[tilespmem:$0x1D000] =	vst v63  }
0x6d: {  	_ =	swait.ge [sflag:s20], $0x4000  }
0x6e: {  	[sflag:s20] =	ssyncset.done $0x0  }
0x6f: {  	[sflag:s20] =	ssyncadd.s32 $0xFFFFC000  }
0x70: {  	[tilespmem:s19], [sflag:$0x2] =	stream.linear.gather [spmem:s10], $0x4000, $0x38;
	[tilespmem:$0x1D000] =	vst v63  }
0x71: {  	s24 =	sadd.s32 $0x1, s24;
	_ =	swait.ge [sflag:s20], $0x4000  }
0x72: {  	p0 =	sne.s32 s24, s18;
	[sflag:s20] =	ssyncset.done $0x0  }
.Ltmp1:
0x73: {  	[sflag:s20] =	ssyncadd.s32 $0xFFFFC000;
	(pc) =	sbr.rel @p0 .LBB2_1-.Ltmp1, $4  }
0x74: {  	[hbm4b:s17+s4] =	stream.linear.scatter [tilespmem:s19], [sflag:$0x2], $0x4000, $0x38;
	[tilespmem:$0x1D000] =	vst v63  }
0x75: {  	_ =	swait.ge [sflag:s20], $0x4000  }
0x76: {  	[sflag:s20] =	ssyncset.done $0x0  }
0x77: {  	[sflag:s20] =	ssyncadd.s32 $0xFFFFC000  }
0x78: {  	_ =	sfence.sel $0x180000  }
0x79: {  	[bflag:$0x0] =	sbarrier.arrive $0xFFFF  }
0x7a: {  	p0 =	sne.s32 s2, $0x0;
	_ =	strace $0x9000004D  }
0x7b: {  	s0 =	sadd.s32 @!p0 $0x100000, s1;
	[bflag:$0x2] =	sbarrier.arrive $0xFFFF  }
0x7c: {  	[sflag:s0] =	ssyncadd.tile.s32 @!p0 $0x1;
	_ =	shalt  }
.Lfunc_end2:
_tile_overlayer_lowered:
.L_overlay_start_2:
0x7d: {  	(tag) =	ssettag $0x2  }
0x7e: {  	s0 =	rddreg [dreg:$0x0];
	s2 =	stileid.u32  }
0x7f: {  	s1 =	rddreg [dreg:$0x1];
	p0 =	sne.s32 s2, $0x0  }
0x80: {  	s3 =	rddreg [dreg:$0x2];
	[bflag:$0x3] =	sbarrier.arrive $0xFFFF;
	s2 =	simm.s32 @!p0 $0x1C02  }
0x81: {  	[timem:s3], [sflag:s2] =	dma.local @!p0 [hbm:s0], s1  }
0x82: {  	s0 =	simm.s32 @!p0 $0x2  }
0x83: {  	_ =	swait.ge @!p0 [sflag:s0], s1  }
0x84: {  	s1 =	ssub.s32 @!p0 $0x0, s1;
	[sflag:s0] =	ssyncset.done @!p0 $0x0  }
0x85: {  	[sflag:s0] =	ssyncadd.s32 @!p0 s1  }
0x86: {  	[bflag:$0x3] =	sbarrier.arrive $0xFFFF  }
0x87: {  	_ =	shalt  }

// kernel: kernel.8.cloned.1.call-start
scs
__scs_entry_jumppad:
0x0: {  	(pc) =	sbr.rel $0x88, $3  }
0x1: {  	(tag) =	ssettag $0x0;
	lr =	simm.s32 $0x1  }
0x2: {  	[smem:$0x3F9B] =	sst lr;
	_ =	strace $0xD0000000  }
0x3: {  	_ = 	snop  }
0x4: {  	_ = 	snop  }
0x5: {  	_ = 	snop  }
0x6: {  	_ = 	snop  }
0x7: {  	_ = 	snop  }
__scs_overlays_trampoline_lowered:
0x8: {  	[smem:$0x3FAA] =	sst s0  }
0x9: {  	[smem:$0x3FAB] =	sst s1  }
0xa: {  	[smem:$0x3FAC] =	sst s2  }
0xb: {  	[smem:$0x3FAD] =	sst s3  }
0xc: {  	[smem:$0x3FAE] =	sst s4  }
0xd: {  	[smem:$0x3FAF] =	sst s5  }
0xe: {  	[smem:$0x3FB0] =	sst s6  }
0xf: {  	[smem:$0x3FB1] =	sst s7  }
0x10: {  	[smem:$0x3FB2] =	sst s8  }
0x11: {  	[smem:$0x3FB3] =	sst s9;
	s0 =	simm.s32 @!p0 $0x0  }
0x12: {  	s1 =	sld [smem:$0x3F99];
	s0 =	simm.s32 @p0 $0x1  }
0x13: {  	[smem:$0x3FB4] =	sst s0;
	s0 =	simm.s32 @!p1 $0x0  }
0x14: {  	s2 =	sld [smem:$0x3F98];
	s0 =	simm.s32 @p1 $0x1  }
0x15: {  	[smem:$0x3FB5] =	sst s0;
	s0 =	simm.s32 @!p2 $0x0  }
0x16: {  	s3 =	sld [smem:$0x3FDB];
	s0 =	simm.s32 @p2 $0x1  }
0x17: {  	s4 =	simm.s32 $0x1BF5;
	[smem:$0x3FB7] =	sst s0  }
0x18: {  	s0 =	sld [smem:$0x3F9A];
	_ =	swait.ge [sflag:s4], $0x0  }
0x19: {  	s7 =	sld [smem:$0x3F9B]  }
0x1a: {  	s8 =	sadd.s32 $0xFFFFE003, lr  }
0x1b: {  	s9 =	sadd.s32 $0xFFFFFEF7, lr;
	s5 =	simm.s32 $0xFFFFFFFF;
	p2 =	slt.u32 s8, $0xFFFFF086  }
0x1c: {  	p1 =	slt.u32 s9, $0xF7A;
	s5 =	simm.s32 @!p2 $0x0  }
0x1d: {  	s5 =	simm.s32 @p1 $0x1;
	p0 =	seq.s32 s7, s2  }
0x1e: {  	s7 =	smul.u32 @!p0 $0xF7A, s2;
	p2 =	seq.s32 @!p0 s5, $0x0  }
0x1f: {  	s9 =	smul.u32 $0xF7A, s1;
	s8 =	simm.s32 @!p0 $0x1BF5;
	p2 =	por !p2, p0  }
0x20: {  	[sflag:s8] =	ssyncset.s32 @!p0 $0xFFFFF086;
	s6 =	sadd.s32 @!p0 s3, s7;
	s7 =	simm.s32 @!p0 $0x108  }
0x21: {  	s3 =	sadd.s32 s3, s9;
	s6 =	sadd.s32 @!p0 $0x88, s6;
	s7 =	simm.s32 @p2 $0x1082  }
0x22: {  	[simem:s7], [sflag:s8] =	dma.local @!p0 [hbm:s6], $0xF7A  }
0x23: {  	s9 =	sor.u32 $0xD0000000, s2;
	s6 =	simm.s32 $0x108;
	_ =	swait.ge @!p0 [sflag:s8], $0x0  }
0x24: {  	s3 =	sadd.s32 $0x88, s3;
	s6 =	simm.s32 @!p1 $0x1082;
	[sflag:s4] =	ssyncset.s32 $0xFFFFF086  }
0x25: {  	[simem:s6], [sflag:s4] =	dma.local [hbm:s3], $0xF7A  }
0x26: {  	[smem:$0x3F9B] =	sst s1;
	(tag) =	ssettag s2;
	_ =	strace s9  }
0x27: {  	s1 =	sld [smem:$0x3FAB]  }
0x28: {  	s2 =	sld [smem:$0x3FAC]  }
0x29: {  	s4 =	sld [smem:$0x3FAE]  }
0x2a: {  	p0 =	seq.s32 s5, $0x0;
	s5 =	sld [smem:$0x3FAF]  }
0x2b: {  	s6 =	sld [smem:$0x3FB0]  }
0x2c: {  	s7 =	sld [smem:$0x3FB1]  }
0x2d: {  	s3 =	simm.s32 $0x108;
	s8 =	sld [smem:$0x3FB2]  }
0x2e: {  	s3 =	simm.s32 @!p0 $0x1082;
	s9 =	sld [smem:$0x3FB3]  }
0x2f: {  	lr =	sadd.s32 s0, s3;
	s0 =	sld [smem:$0x3FAA]  }
0x30: {  	s3 =	sld [smem:$0x3FAD]  }
0x31: {  	[smem:$0x3FB6] =	sst s10  }
0x32: {  	s10 =	sld [smem:$0x3FB4];
	_ =	sdelay $0x3  }
0x33: {  	p0 =	seq.s32 s10, $0x1;
	s10 =	sld [smem:$0x3FB6];
	_ =	sdelay $0x3  }
0x34: {  	[smem:$0x3FB6] =	sst s10  }
0x35: {  	s10 =	sld [smem:$0x3FB5];
	_ =	sdelay $0x3  }
0x36: {  	p1 =	seq.s32 s10, $0x1;
	s10 =	sld [smem:$0x3FB6];
	_ =	sdelay $0x3  }
0x37: {  	[smem:$0x3FB6] =	sst s10  }
0x38: {  	s10 =	sld [smem:$0x3FB7]  }
0x39: {  	_ = 	snop;
	(pc) =	sbr.ind lr, $3  }
0x3a: {  	_ = 	snop  }
0x3b: {  	_ = 	snop  }
0x3c: {  	p2 =	seq.s32 s10, $0x1;
	s10 =	sld [smem:$0x3FB6]  }
0x3d: {  	_ =	shalt  }
0x3e: {  	_ =	shalt  }
0x3f: {  	_ =	shalt  }
0x40: {  	_ =	shalt  }
0x41: {  	_ =	shalt  }
0x42: {  	_ =	shalt  }
0x43: {  	_ =	shalt  }
0x44: {  	_ =	shalt  }
0x45: {  	_ =	shalt  }
0x46: {  	_ =	shalt  }
0x47: {  	_ =	shalt  }
0x48: {  	_ =	shalt  }
0x49: {  	_ =	shalt  }
0x4a: {  	_ =	shalt  }
0x4b: {  	_ =	shalt  }
0x4c: {  	_ =	shalt  }
0x4d: {  	_ =	shalt  }
0x4e: {  	_ =	shalt  }
0x4f: {  	_ =	shalt  }
0x50: {  	_ =	shalt  }
0x51: {  	_ =	shalt  }
0x52: {  	_ =	shalt  }
0x53: {  	_ =	shalt  }
0x54: {  	_ =	shalt  }
0x55: {  	_ =	shalt  }
0x56: {  	_ =	shalt  }
0x57: {  	_ =	shalt  }
0x58: {  	_ =	shalt  }
0x59: {  	_ =	shalt  }
0x5a: {  	_ =	shalt  }
0x5b: {  	_ =	shalt  }
0x5c: {  	_ =	shalt  }
0x5d: {  	_ =	shalt  }
0x5e: {  	_ =	shalt  }
0x5f: {  	_ =	shalt  }
0x60: {  	_ =	shalt  }
0x61: {  	_ =	shalt  }
0x62: {  	_ =	shalt  }
0x63: {  	_ =	shalt  }
0x64: {  	_ =	shalt  }
0x65: {  	_ =	shalt  }
0x66: {  	_ =	shalt  }
0x67: {  	_ =	shalt  }
0x68: {  	_ =	shalt  }
0x69: {  	_ =	shalt  }
0x6a: {  	_ =	shalt  }
0x6b: {  	_ =	shalt  }
0x6c: {  	_ =	shalt  }
0x6d: {  	_ =	shalt  }
0x6e: {  	_ =	shalt  }
0x6f: {  	_ =	shalt  }
0x70: {  	_ =	shalt  }
0x71: {  	_ =	shalt  }
0x72: {  	_ =	shalt  }
0x73: {  	_ =	shalt  }
0x74: {  	_ =	shalt  }
0x75: {  	_ =	shalt  }
0x76: {  	_ =	shalt  }
0x77: {  	_ =	shalt  }
0x78: {  	_ =	shalt  }
0x79: {  	_ =	shalt  }
0x7a: {  	_ =	shalt  }
0x7b: {  	_ =	shalt  }
0x7c: {  	_ =	shalt  }
0x7d: {  	_ =	shalt  }
0x7e: {  	_ =	shalt  }
0x7f: {  	_ =	shalt  }
0x80: {  	_ =	shalt  }
0x81: {  	_ =	shalt  }
0x82: {  	_ =	shalt  }
0x83: {  	_ =	shalt  }
0x84: {  	_ =	shalt  }
0x85: {  	_ =	shalt  }
0x86: {  	_ =	shalt  }
0x87: {  	_ =	shalt  }
.Lfunc_end0:
.L_simem_size_0:
called_computation_lowered:
.L_overlay_start_0:
0x88: {  	s2 =	sld [smem:$0x3FD9]  }
0x89: {  	s3 =	sld [smem:$0x3FFE];
	_ =	sdelay $0x1  }
0x8a: {  	s1 =	srdreg.scid  }
0x8b: {  	s0 =	sand.u32 $0x1, s1  }
0x8c: {  	s17 =	sshll.u32 s0, $0xA;
	s2 =	sadd.s32 s3, s2  }
0x8d: {  	s2 =	sadd.s32 s2, s17  }
0x8e: {  	[smem:$0x3FC2] =	sst s2  }
0x8f: {  	_ = 	snop  }
0x90: {  	s2 =	sld [smem:$0x3FD0];
	(tm) =	ssettm $0x1  }
0x91: {  	s18 =	sld [smem:$0x3FFB];
	_ =	sdelay $0x3  }
0x92: {  	_ =	strace s18  }
0x93: {  	s3 =	sld [smem:$0x3FFC];
	_ =	sdelay $0x3  }
0x94: {  	_ =	strace s3  }
0x95: {  	s3 =	sld [smem:$0x3FFD];
	_ =	sdelay $0x3  }
0x96: {  	_ =	strace s3  }
0x97: {  	_ =	strace $0x8FFFFFFF  }
0x98: {  	s19 =	sld [smem:$0x3FDB];
	_ =	sdelay $0x1  }
0x99: {  	s4 =	simm.s32 $_scs_section_size  }
0x9a: {  	s5 =	simm.s32 $_size__tile_overlayer_lowered;
	s6 =	simm.s32 $_tile_overlayer_lowered  }
0x9b: {  	s22 =	simm.s32 $0x1BFF;
	s21 =	sshll.u32 s6, $0x1;
	s3 =	sadd.s32 s4, s19  }
0x9c: {  	s7 =	simm.s32 $0x0;
	s20 =	sshll.u32 s5, $0x1;
	s5 =	sadd.s32 s21, s3  }
0x9d: {  	[timem:s7], [sflag:s22] =	dma.local [hbm:s5], s20  }
0x9e: {  	_ =	swait.ge [sflag:s22], s20  }
0x9f: {  	s4 =	ssub.s32 $0x0, s20;
	[sflag:s22] =	ssyncset.done $0x0  }
0xa0: {  	[sflag:s22] =	ssyncadd.s32 s4;
	_ =	sdelay $0x1  }
0xa1: {  	s23 =	simm.s32 $0x1B8B  }
0xa2: {  	_ =	swait.ge [sflag:s23], $0x1  }
0xa3: {  	[sflag:s23] =	ssyncset.done $0x0  }
0xa4: {  	s25 =	simm.s32 $0x1B8E;
	s24 =	sld [smem:$0x3FFE];
	[sflag:s23] =	ssyncadd.s32 $0xFFFFFFFF  }
0xa5: {  	s26 =	simm.s32 $execute0_lowered;
	[smem:$0x3FD2] =	sst s25  }
0xa6: {  	s5 =	sshll.u32 s26, $0x1;
	_ =	strace $0x80000046;
	[dreg:$0x1] =	wrdreg $0xFFFFFFFF  }
0xa7: {  	s28 =	simm.s32 $_size_execute0_lowered;
	s3 =	sadd.s32 s3, s5;
	[dreg:$0x0] =	wrdreg $0x0  }
0xa8: {  	s5 =	sshll.u32 s28, $0x1;
	[dreg:$0x2] =	wrdreg s3  }
0xa9: {  	[dreg:$0x3] =	wrdreg s5  }
0xaa: {  	[dreg:$0x4] =	wrdreg $0xC0  }
0xab: {  	_ =	task [dreg:s7], $0x5FFFF  }
0xac: {  	[dreg:$0x1] =	wrdreg $0xFFFFFFFF  }
0xad: {  	[dreg:$0x0] =	wrdreg $0x60  }
0xae: {  	[dreg:$0x2] =	wrdreg s24  }
0xaf: {  	[dreg:$0x3] =	wrdreg s2  }
0xb0: {  	[dreg:$0x4] =	wrdreg $0x2B000  }
0xb1: {  	[dreg:$0x5] =	wrdreg $0x9  }
0xb2: {  	_ =	task.clear_ibuf [dreg:s7], $0x6FFFF;
	_ =	strace $0x90000046  }
0xb3: {  	s29 =	simm.s32 $0x9;
	_ =	strace $0x80000048  }
0xb4: {  	_ =	swait.ge [sflag:s29], $0x1  }
0xb5: {  	[sflag:s29] =	ssyncadd.s32 $0xFFFFFFFF  }
0xb6: {  	_ =	strace $0x90000048  }
0xb7: {  	_ =	sfence  }
0xb8: {  	s30 =	sld [smem:$0x0];
	_ =	sdelay $0x2  }
0xb9: {  	s31 =	sshll.u32 s1, $0xD;
	s1 =	sshrl.u32 s1, $0x2  }
0xba: {  	s3 =	sand.u32 $0x4000, s31;
	s1 =	sadd.s32 s1, s30  }
0xbb: {  	s0 =	sor.u32 s3, s0;
	s1 =	sshll.u32 s1, $0x11  }
0xbc: {  	s0 =	sor.u32 s1, s0  }
0xbd: {  	s0 =	sadd.s32 $0x8F2B, s0  }
0xbe: {  	[sflag:s0] =	ssyncadd.remote.s32 $0x1  }
0xbf: {  	_ =	sfence.sel $0xFFFF  }
0xc0: {  	[dreg:$0x0] =	wrdreg $0xFFFFFFFF;
	(pc) =	sbr.abs _section_cstart, $3  }
0xc1: {  	[dreg:$0x1] =	wrdreg $0xFFFFFFFF  }
0xc2: {  	_ =	task.clear_ibuf [dreg:s7], $0x2FFFF;
	_ =	strace $0x9FFFFFFF  }
0xc3: {  	(tm) =	ssettm $0x7FFFFFFF  }
tec
execute0_lowered:
.L_overlay_start_1:
0x0: {  	(tag) =	ssettag $0x1  }
0x1: {  	s5 =	rddreg [dreg:$0x0]  }
0x2: {  	s0 =	srdreg.scid;
	s8 =	rddreg [dreg:$0x1]  }
0x3: {  	s2 =	rddreg [dreg:$0x2];
	s1 =	stileid.u32  }
0x4: {  	s3 =	simm.s32 $0x0;
	s13 =	simm.s32 $0x80;
	s14 =	simm.s32 $0x100  }
0x5: {  	s6 =	sand.u32 $0x1, s0;
	s0 =	rddreg [dreg:$0x3];
	s7 =	smul.u32 $0xA00, s1  }
0x6: {  	s15 =	simm.s32 $0x0;
	[smem:$0x7FF] =	sst s3;
	s10 =	smul.u32 $0x500, s1  }
0x7: {  	s4 =	sshll.u32 s6, $0x4;
	_ =	strace $0x80000047;
	s11 =	ssub.s32 $0x2, s6  }
0x8: {  	s6 =	sshll.u32 s6, $0x7;
	s4 =	sor.u32 s1, s4;
	s12 =	sshrl.u32 s11, $0x1  }
0x9: {  	s7 =	sshrl.u32 s7, $0x2;
	s10 =	sor.u32 s6, s10;
	s4 =	smul.u32 $0x500, s4  }
0xa: {  	s11 =	ssub.s32 s11, s12;
	s6 =	sadd.s32 s7, s2;
	s10 =	sshrl.u32 s10, $0x3  }
0xb: {  	s12 =	simm.s32 $0x2800;
	s8 =	sadd.s32 s8, s10;
	s10 =	simm.s32 $0x2880  }
0xc: {  	s9 =	sadd.s32 s4, s5;
	s4 =	sadd.s32 $0xC800, s5;
	s5 =	sadd.s32 $0xCA00, s5  }
0xd: {  	s7 =	sadd.s32 $0x2800, s9;
	s9 =	smax.u32 s11, $0x1;
	s11 =	simm.s32 $0x1  }
.LBB2_1:
0xe: {  	[tilespmem:s10], [sflag:$0x1] =	stream.linear.gather [hbm4b:s5+s3], $0x280, $0x38;
	[tilespmem:$0x2D80] =	vst v63  }
0xf: {  	_ =	swait.ge [sflag:s11], $0x280  }
0x10: {  	[sflag:s11] =	ssyncset.done $0x0  }
0x11: {  	[sflag:s11] =	ssyncadd.s32 $0xFFFFFD80  }
0x12: {  	[tilespmem:s12], [sflag:$0x1] =	stream.linear.gather [hbm4b:s4+s3], $0x80, $0x38;
	[tilespmem:$0x2D80] =	vst v63  }
0x13: {  	_ =	swait.ge [sflag:s11], $0x80  }
0x14: {  	[sflag:s11] =	ssyncset.done $0x0  }
0x15: {  	[sflag:s11] =	ssyncadd.s32 $0xFFFFFF80  }
0x16: {  	[spmem:s6] =	stream.linear.scatter [tilespmem:s10], [sflag:$0x1], $0x280, $0x38;
	[tilespmem:$0x2D80] =	vst v63  }
0x17: {  	_ =	swait.ge [sflag:s11], $0x280  }
0x18: {  	[sflag:s11] =	ssyncset.done $0x0  }
0x19: {  	[sflag:s11] =	ssyncadd.s32 $0xFFFFFD80  }
0x1a: {  	[bflag:$0x0] =	sbarrier.arrive $0xFFFF  }
0x1b: {  	[tilespmem:s3], [sflag:$0x1] =	stream.linear.gather [hbm4b:s7+s3], $0x2780, $0x38;
	[tilespmem:$0x2D80] =	vst v63  }
0x1c: {  	_ =	swait.ge [sflag:s11], $0x2780  }
0x1d: {  	[sflag:s11] =	ssyncset.done $0x0  }
0x1e: {  	s16 =	simm.s32 $0x0;
	[sflag:s11] =	ssyncadd.s32 $0xFFFFD880  }
0x1f: {  	[spmem:s2] =	stream.indirect.scatter.add.f32 [tilespmem:s12], [sflag:$0x1], $0x1, s16, s13, $0xb8;
	[tilespmem:$0x2D80] =	vst v63  }
0x20: {  	_ =	swait.ge [sflag:s11], $0x80  }
0x21: {  	s16 =	simm.s32 $0x200;
	[sflag:s11] =	ssyncset.done $0x0  }
.LBB2_2:
0x22: {  	s17 =	sshra.s32 s16, $0x2;
	[sflag:s11] =	ssyncadd.s32 $0xFFFFFF80;
	p0 =	sne.s32 s16, $0x9C00  }
0x23: {  	[spmem:s2] =	stream.indirect.scatter.add.f32 [tilespmem:s12], [sflag:$0x1], $0x1, s17, s13, $0xb8;
	[tilespmem:$0x2D80] =	vst v63  }
.Ltmp0:
0x24: {  	_ = 	snop;
	(pc) =	sbr.rel @p0 .LBB2_2-.Ltmp0, $4  }
0x25: {  	_ = 	snop  }
0x26: {  	s16 =	sadd.s32 $0x200, s16  }
0x27: {  	_ =	swait.ge [sflag:s11], $0x80  }
0x28: {  	[sflag:s11] =	ssyncset.done $0x0  }
0x29: {  	[sflag:s11] =	ssyncadd.s32 $0xFFFFFF80  }
0x2a: {  	[bflag:$0x0] =	sbarrier.arrive $0xFFFF  }
0x2b: {  	[tilespmem:s10], [sflag:$0x1] =	stream.linear.gather [spmem:s6], $0x280, $0x38;
	[tilespmem:$0x2D80] =	vst v63  }
0x2c: {  	s15 =	sadd.s32 $0x1, s15;
	_ =	swait.ge [sflag:s11], $0x280  }
0x2d: {  	p0 =	sne.s32 s15, s9;
	[sflag:s11] =	ssyncset.done $0x0  }
.Ltmp1:
0x2e: {  	[sflag:s11] =	ssyncadd.s32 $0xFFFFFD80;
	(pc) =	sbr.rel @p0 .LBB2_1-.Ltmp1, $4  }
0x2f: {  	[hbm4b:s8+s13] =	stream.strided.scatter [tilespmem:s10], [sflag:$0x1], $0x280, s14, s13, $0x38;
	[tilespmem:$0x2D80] =	vst v63  }
0x30: {  	_ =	swait.ge [sflag:s11], $0x280  }
0x31: {  	[sflag:s11] =	ssyncset.done $0x0  }
0x32: {  	[sflag:s11] =	ssyncadd.s32 $0xFFFFFD80  }
0x33: {  	_ =	sfence.sel $0x180000  }
0x34: {  	[bflag:$0x0] =	sbarrier.arrive $0xFFFF  }
0x35: {  	p0 =	sne.s32 s1, $0x0;
	_ =	strace $0x90000047  }
0x36: {  	s0 =	sadd.s32 @!p0 $0x100000, s0;
	[bflag:$0x2] =	sbarrier.arrive $0xFFFF  }
0x37: {  	[sflag:s0] =	ssyncadd.tile.s32 @!p0 $0x1;
	_ =	shalt  }
.Lfunc_end2:
_tile_overlayer_lowered:
.L_overlay_start_2:
0x38: {  	(tag) =	ssettag $0x2  }
0x39: {  	s0 =	rddreg [dreg:$0x0];
	s2 =	stileid.u32  }
0x3a: {  	s1 =	rddreg [dreg:$0x1];
	p0 =	sne.s32 s2, $0x0  }
0x3b: {  	s3 =	rddreg [dreg:$0x2];
	[bflag:$0x3] =	sbarrier.arrive $0xFFFF;
	s2 =	simm.s32 @!p0 $0x1C01  }
0x3c: {  	[timem:s3], [sflag:s2] =	dma.local @!p0 [hbm:s0], s1  }
0x3d: {  	s0 =	simm.s32 @!p0 $0x1  }
0x3e: {  	_ =	swait.ge @!p0 [sflag:s0], s1  }
0x3f: {  	s1 =	ssub.s32 @!p0 $0x0, s1;
	[sflag:s0] =	ssyncset.done @!p0 $0x0  }
0x40: {  	[sflag:s0] =	ssyncadd.s32 @!p0 s1  }
0x41: {  	[bflag:$0x3] =	sbarrier.arrive $0xFFFF  }
0x42: {  	_ =	shalt  }

</sc_bundles>
